<compile_context>
chip_gen: v7x
topology: tpu7x:2x2x1
jax: 0.10.2.dev20260603
libtpu: 0.0.44.dev20260713+nightly
codegen_flags: <defaults>
</compile_context>

<pallas_src>
import functools

import numpy as np

import jax
import jax.numpy as jnp
from jax import lax
from jax.experimental import pallas as pl
from jax.experimental.pallas import tpu as pltpu
from jax.experimental.pallas import tpu_sc as plsc

B, NCOL, NOUT = 4096, 9, 56
NREF = NCOL - 1
BETA = 10.0
LANES = 16
NC, NS = 2, 16
NW = NC * NS
BPW = B // NW
NG = BPW // LANES
PAIRS = tuple((q, r) for q in range(4) for r in range(1, 4) if q != r)
NPAIR = len(PAIRS)


def _sc_body(idx_hbm, g0_hbm, g1_hbm, sel_hbm, e_hbm, out_hbm,
             idx_v, g0_v, g1_v, sel_v, e_v, stab, out_v, giv, sem):
    wid = lax.axis_index("s") * NC + lax.axis_index("c")
    base = wid * BPW

    lanes = lax.iota(jnp.int32, LANES)
    def fill_gi(k, carry):
        co = jnp.minimum(k * LANES + lanes, NCOL * NOUT - 1)
        giv[pl.ds(k * LANES, LANES)] = co * NW + wid
        return carry
    lax.fori_loop(0, (NCOL * NOUT + LANES - 1) // LANES, fill_gi, 0)
    pltpu.async_copy(idx_hbm.at[giv], idx_v, sem).wait()
    pltpu.sync_copy(g0_hbm.at[:, pl.ds(base, BPW)], g0_v)
    pltpu.sync_copy(g1_hbm.at[:, pl.ds(base, BPW)], g1_v)
    pltpu.sync_copy(sel_hbm.at[:, pl.ds(base, BPW)], sel_v)
    pltpu.sync_copy(e_hbm, e_v)
    zeros_i = jnp.zeros((LANES,), jnp.int32)
    ones_f = jnp.ones((LANES,), jnp.float32)
    pq0 = lax.shift_right_logical(lanes, 2)
    pr0 = lanes & 3
    def16 = ((pq0 == pr0) & (pr0 != 0)).astype(jnp.float32)
    lb16 = lanes * LANES

    def build_tables(g, carry):
        bsl = pl.ds(g * LANES, LANES)
        g00 = g0_v[0, bsl]
        g01 = g0_v[1, bsl]
        g10 = g1_v[0, bsl]
        g11 = g1_v[1, bsl]
        h1 = g00 * g10
        h2 = g00 * g11
        h3 = g01 * g10
        h4 = g01 * g11
        lbase = lb16 + g * (LANES * LANES)
        for k in range(LANES):
            stab[pl.ds(g * (LANES * LANES) + k * LANES, LANES)] = def16
        for p in range(NPAIR):
            eb = p * 8 + 8
            da0 = plsc.load_gather(e_v, [zeros_i + eb])
            db0 = plsc.load_gather(e_v, [zeros_i + (eb + 1)])
            dc0 = plsc.load_gather(e_v, [zeros_i + (eb + 2)])
            dd0 = plsc.load_gather(e_v, [zeros_i + (eb + 3)])
            da1 = plsc.load_gather(e_v, [zeros_i + (eb + 4)])
            db1 = plsc.load_gather(e_v, [zeros_i + (eb + 5)])
            dc1 = plsc.load_gather(e_v, [zeros_i + (eb + 6)])
            dd1 = plsc.load_gather(e_v, [zeros_i + (eb + 7)])
            dz0 = h1 * da0 + h2 * db0 + h3 * dc0 + h4 * dd0
            dz1 = h1 * da1 + h2 * db1 + h3 * dc1 + h4 * dd1
            d2 = dz0 * dz0 + dz1 * dz1
            d2c = jnp.maximum(d2, 1e-30)
            yi = jnp.int32(0x5F3759DF) - lax.shift_right_logical(
                plsc.bitcast(d2c, jnp.int32), 1)
            y = plsc.bitcast(yi, jnp.float32)
            y = y * (1.5 - 0.5 * d2c * y * y)
            y = y * (1.5 - 0.5 * d2c * y * y)
            y = y * (1.5 - 0.5 * d2c * y * y)
            d = d2 * y
            s = jnp.exp(-BETA * d)
            q, r = PAIRS[p]
            plsc.store_scatter(stab, [lbase + (q * 4 + r)], s)
        return carry

    lax.fori_loop(0, NG, build_tables, 0)

    def rank_group(g, carry):
        bsl = pl.ds(g * LANES, LANES)
        selv = [sel_v[c, bsl] > 0.5 for c in range(1, NCOL)]
        lbase = lb16 + g * (LANES * LANES)

        def one_outcome(o):
            qv = idx_v[o, bsl]
            qs = lax.shift_left(qv, 2) + lbase
            denom = jnp.zeros((LANES,), jnp.float32)
            prod = ones_f
            for half in range(2):
                num = ones_f
                den = ones_f
                for c in range(NREF - 4 * half, NREF - 4 * (half + 1), -1):
                    rv = idx_v[c * NOUT + o, bsl]
                    sv = plsc.load_gather(stab, [qs | rv])
                    denom = denom + sv
                    num = num * jnp.where(selv[c - 1], sv, 1.0)
                    den = den * jnp.where(selv[c - 1], denom, 1.0)
                prod = prod * (num / den)
            prod = jnp.where(prod > 0.0, prod, 0.0)
            out_v[o, bsl] = prod

        def ostep(o2, carry2):
            one_outcome(o2 * 2)
            one_outcome(o2 * 2 + 1)
            return carry2

        lax.fori_loop(0, NOUT // 2, ostep, 0)
        return carry

    lax.fori_loop(0, NG, rank_group, 0)
    pltpu.sync_copy(out_v, out_hbm.at[:, pl.ds(base, BPW)])


@functools.partial(
    pl.kernel,
    out_type=jax.ShapeDtypeStruct((NOUT, B), jnp.float32),
    mesh=plsc.VectorSubcoreMesh(core_axis_name="c", subcore_axis_name="s"),
    compiler_params=pltpu.CompilerParams(needs_layout_passes=False,
                                         use_tc_tiling_on_sc=False),
    scratch_types=[
        pltpu.VMEM((512, BPW), jnp.int32),
        pltpu.VMEM((2, BPW), jnp.float32),
        pltpu.VMEM((2, BPW), jnp.float32),
        pltpu.VMEM((NCOL, BPW), jnp.float32),
        pltpu.VMEM((NPAIR * 8 + 24,), jnp.float32),
        pltpu.VMEM((BPW * LANES,), jnp.float32),
        pltpu.VMEM((NOUT, BPW), jnp.float32),
        pltpu.VMEM((512,), jnp.int32),
        pltpu.SemaphoreType.DMA,
    ],
)
def _rank_model_sc(idx_hbm, g0_hbm, g1_hbm, sel_hbm, e_hbm, out_hbm,
                   idx_v, g0_v, g1_v, sel_v, e_v, stab, out_v, giv, sem):
    _sc_body(idx_hbm, g0_hbm, g1_hbm, sel_hbm, e_hbm, out_hbm,
             idx_v, g0_v, g1_v, sel_v, e_v, stab, out_v, giv, sem)


def kernel(rank_similarity_stimulus_set, rank_similarity_is_select,
           percept_gate_weights_0, percept_gate_weights_1,
           E0, E1, E2, E3, w_minkowski):
    idx_t = jnp.transpose(rank_similarity_stimulus_set, (1, 2, 0)).reshape(
        NCOL * NOUT * NW, BPW)
    g0_t = jnp.transpose(percept_gate_weights_0, (1, 0))
    g1_t = jnp.transpose(percept_gate_weights_1, (1, 0))
    sel_t = jnp.transpose(rank_similarity_is_select[:, :, 0], (1, 0)).astype(
        jnp.float32)

    ws = jnp.sqrt(w_minkowski)
    qs_np = np.array([q for q, _ in PAIRS])
    rs_np = np.array([r for _, r in PAIRS])
    et = jnp.stack([E0, E1, E2, E3])
    dmat = (et[:, qs_np, :] - et[:, rs_np, :]) * ws[None, None, :]
    econst = jnp.concatenate([
        jnp.zeros((8,), jnp.float32),
        jnp.transpose(dmat, (1, 2, 0)).reshape(NPAIR * 8),
        jnp.zeros((16,), jnp.float32)])
    out = _rank_model_sc(idx_t, g0_t, g1_t, sel_t, econst)
    return jnp.transpose(out, (1, 0))

# --- scband reference (transcript-rebuilt; emitter-appended) ---
"""Pipeline reference for scband-rank-model-d-43250320671380 (READ-ONLY COPY).

The authoritative reference and input builder live on the scoring server;
editing this copy changes nothing except your own understanding.
"""

import jax, jax.numpy as jnp
import numpy as np

B, NCOL, NOUT = 4096, 9, 56
RHO, BETA, TAU, GAMMA = 2.0, 10.0, 1.0, 0.0
EPS = 1e-7


def setup_inputs(seed: int = 0) -> dict:
    key = jax.random.key(seed)
    k1, k2, k3, k4 = jax.random.split(key, 4)
    stimulus_set = jax.random.randint(k1, (B, NCOL, NOUT), 0, 4, dtype=jnp.int32)
    is_select = jax.random.randint(k2, (B, NCOL, 1), 0, 2, dtype=jnp.int32) == 1
    is_select = is_select.at[:, 0, :].set(False)  # query position never selected
    g0 = jax.random.uniform(k3, (B, 2), dtype=jnp.float32)
    g1 = jax.random.uniform(k4, (B, 2), dtype=jnp.float32)
    E0 = jnp.array([[0.0, 0.0], [0.1, 0.1], [0.15, 0.2], [0.4, 0.5]], dtype=jnp.float32)
    E1 = jnp.array([[0.0, 0.0], [0.15, 0.2], [0.4, 0.5], [0.1, 0.1]], dtype=jnp.float32)
    E2 = jnp.array([[0.0, 0.0], [0.1, 0.1], [0.15, 0.2], [0.4, 0.5]], dtype=jnp.float32)
    E3 = jnp.array([[0.0, 0.0], [0.15, 0.2], [0.4, 0.5], [0.1, 0.1]], dtype=jnp.float32)
    w_minkowski = jnp.array([1.2, 0.8], dtype=jnp.float32)
    return {
        'rank_similarity_stimulus_set': stimulus_set,
        'rank_similarity_is_select': is_select,
        'percept_gate_weights_0': g0,
        'percept_gate_weights_1': g1,
        'E0': E0, 'E1': E1, 'E2': E2, 'E3': E3,
        'w_minkowski': w_minkowski,
    }


def reference(rank_similarity_stimulus_set, rank_similarity_is_select,
              percept_gate_weights_0, percept_gate_weights_1,
              E0, E1, E2, E3, w_minkowski):
    idx = rank_similarity_stimulus_set  # [B, NCOL, NOUT]
    # --- gated percept: hierarchical BraidGate over four embedding tables ---
    z0 = jnp.take(E0, idx, axis=0)  # [B, NCOL, NOUT, 2]
    z1 = jnp.take(E1, idx, axis=0)
    z2 = jnp.take(E2, idx, axis=0)
    z3 = jnp.take(E3, idx, axis=0)
    g1 = percept_gate_weights_1[:, None, None, :]  # inner gate
    g0 = percept_gate_weights_0[:, None, None, :]  # outer gate
    z01 = g1[..., 0:1] * z0 + g1[..., 1:2] * z1
    z23 = g1[..., 0:1] * z2 + g1[..., 1:2] * z3
    z = g0[..., 0:1] * z01 + g0[..., 1:2] * z23  # [B, NCOL, NOUT, 2]
    # --- DistanceBased kernel: Minkowski(rho=2, w) + ExponentialSimilarity ---
    z_q = z[:, 0:1]          # query  [B, 1, NOUT, 2]
    z_r = z[:, 1:]           # refs   [B, NREF, NOUT, 2]
    diff = jnp.abs(z_q - z_r)
    d = jnp.sum(w_minkowski * diff ** RHO, axis=-1) ** (1.0 / RHO)  # [B, NREF, NOUT]
    s = jnp.exp(-BETA * d ** TAU) + GAMMA
    # mask_zero: similarities involving placeholder index 0 are zeroed
    is_present = (idx[:, 1:] != 0).astype(s.dtype)
    s = s * is_present
    # --- RankSimilarity outcome probability (sequential selection) ---
    denom = jnp.cumsum(s[:, ::-1, :], axis=1)[:, ::-1, :]  # reverse cumsum over refs
    is_select = rank_similarity_is_select[:, 1:].astype(s.dtype)  # [B, NREF, 1]
    terms = s / jnp.maximum(denom, EPS)
    terms = is_select * terms + (1.0 - is_select)
    outcome_prob = jnp.prod(terms, axis=1)  # [B, NOUT]
    return outcome_prob

if __name__ == "__main__":
    import jax
    _d = setup_inputs()
    print(jax.jit(kernel)(*tuple(_d.values())))

</pallas_src>

<mosaic_0001>
#map = affine_map<(d0, d1) -> (0, 0)>
#map1 = affine_map<(d0, d1) -> (0)>
module attributes {stable_mosaic.version = 14 : i64} {
  func.func @_rank_model_sc(%arg0: i32, %arg1: i32, %arg2: memref<16128x128xi32, #tpu.memory_space<hbm>>, %arg3: memref<2x4096xf32, #tpu.memory_space<hbm>>, %arg4: memref<2x4096xf32, #tpu.memory_space<hbm>>, %arg5: memref<9x4096xf32, #tpu.memory_space<hbm>>, %arg6: memref<96xf32, #tpu.memory_space<hbm>>, %arg7: memref<56x4096xf32, #tpu.memory_space<hbm>>, %arg8: memref<512x128xi32, #tpu.memory_space<vmem>>, %arg9: memref<2x128xf32, #tpu.memory_space<vmem>>, %arg10: memref<2x128xf32, #tpu.memory_space<vmem>>, %arg11: memref<9x128xf32, #tpu.memory_space<vmem>>, %arg12: memref<96xf32, #tpu.memory_space<vmem>>, %arg13: memref<2048xf32, #tpu.memory_space<vmem>>, %arg14: memref<56x128xf32, #tpu.memory_space<vmem>>, %arg15: memref<512xi32, #tpu.memory_space<vmem>>, %arg16: memref<!tpu.dma_semaphore, #tpu.memory_space<semaphore_mem>>) attributes {dimension_semantics = [#tpu.dimension_semantics<core_parallel>, #tpu.dimension_semantics<subcore_parallel>], iteration_bounds = array<i64: 2, 16>, scalar_prefetch = 0 : i64, scratch_operands = 9 : i64, tpu.core_type = #tpu.core_type<sc_vector_subcore>, window_params = [{transform_indices = #map}, {transform_indices = #map}, {transform_indices = #map}, {transform_indices = #map}, {transform_indices = #map1}, {transform_indices = #map}]} {
    %mul3A = arith.constant 2 : i32
    %mul3A_0 = arith.muli %arg1, %mul3A : i32
    %add3A = arith.addi %mul3A_0, %arg0 : i32
    %mul3A_1 = arith.constant 128 : i32
    %mul3A_2 = arith.muli %add3A, %mul3A_1 : i32
    %iota3A = tpu.iota {dimensions = array<i32: 0>} : vector<16xi32>
    %scan3A = arith.constant 0 : i32
    %scan3A_3 = arith.constant 0 : i32
    %scan3A_4 = arith.constant 32 : i32
    %scan3A_5 = arith.addi %scan3A_3, %scan3A_4 : i32
    %scan3A_6 = arith.constant 1 : i32
    scf.for %scan3A_38 = %scan3A_3 to %scan3A_5 step %scan3A_6  : i32 {
      %mul3A_39 = arith.constant 16 : i32
      %mul3A_40 = arith.muli %scan3A_38, %mul3A_39 : i32
      %add3A_41 = vector.broadcast %mul3A_40 : i32 to vector<16xi32>
      %add3A_42 = arith.addi %add3A_41, %iota3A : vector<16xi32>
      %min3A = arith.constant 503 : i32
      %min3A_43 = vector.broadcast %min3A : i32 to vector<16xi32>
      %min3A_44 = arith.minsi %add3A_42, %min3A_43 : vector<16xi32>
      %mul3A_45 = arith.constant 32 : i32
      %mul3A_46 = vector.broadcast %mul3A_45 : i32 to vector<16xi32>
      %mul3A_47 = arith.muli %min3A_44, %mul3A_46 : vector<16xi32>
      %add3A_48 = vector.broadcast %add3A : i32 to vector<16xi32>
      %add3A_49 = arith.addi %mul3A_47, %add3A_48 : vector<16xi32>
      %mul3A_50 = arith.constant 16 : i32
      %mul3A_51 = arith.muli %scan3A_38, %mul3A_50 : i32
      %swap3A = arith.index_cast %mul3A_51 : i32 to index
      %swap3A_52 = tpu.vector_load %arg15[%swap3A] {strides = array<i32>} : memref<512xi32, #tpu.memory_space<vmem>>, vector<16xi32>,
      tpu.vector_store %arg15[%swap3A], %add3A_49 {strides = array<i32>} : memref<512xi32, #tpu.memory_space<vmem>>, vector<16xi32>,
    }
    %scan3A_7 = arith.constant 32 : i32
    %dma_start3A = arith.constant 0 : i32
    %dma_start3A_8 = arith.constant 0 : i32
    %dma_start3A_9 = tpu.memref_slice %arg2[%dma_start3A, %dma_start3A_8] : memref<16128x128xi32, #tpu.memory_space<hbm>> -> memref<16128x128xi32, #tpu.memory_space<hbm>>
    tpu.enqueue_indirect_dma source(%dma_start3A_9 : memref<16128x128xi32, #tpu.memory_space<hbm>>) target(%arg8 : memref<512x128xi32, #tpu.memory_space<vmem>>) offsets(%arg15 : memref<512xi32, #tpu.memory_space<vmem>>) semaphore(%arg16 : memref<!tpu.dma_semaphore, #tpu.memory_space<semaphore_mem>>)
    %dma_wait3A = arith.constant 0 : i32
    %dma_wait3A_10 = arith.constant 0 : i32
    %dma_wait3A_11 = tpu.memref_slice %arg2[%dma_wait3A, %dma_wait3A_10] : memref<16128x128xi32, #tpu.memory_space<hbm>> -> memref<16128x128xi32, #tpu.memory_space<hbm>>
    tpu.wait_indirect_dma semaphore(%arg16 : memref<!tpu.dma_semaphore, #tpu.memory_space<semaphore_mem>>) src(%dma_wait3A_11 : memref<16128x128xi32, #tpu.memory_space<hbm>>) dst(%arg8 : memref<512x128xi32, #tpu.memory_space<vmem>>)
    "tpu.region"() ({
      %run_scoped3A = tpu.sem_alloc : memref<!tpu.dma_semaphore, #tpu.memory_space<semaphore_mem>>
      %dma_start3A_38 = arith.constant 0 : i32
      %dma_start3A_39 = tpu.memref_slice %arg3[%dma_start3A_38, %mul3A_2] : memref<2x4096xf32, #tpu.memory_space<hbm>> -> memref<2x128xf32, #tpu.memory_space<hbm>>
      %dma_start3A_40 = arith.constant 0 : i32
      %dma_start3A_41 = tpu.memref_slice %arg3[%dma_start3A_40, %mul3A_2] : memref<2x4096xf32, #tpu.memory_space<hbm>> -> memref<2x128xf32, #tpu.memory_space<hbm>>
      tpu.enqueue_dma source(%dma_start3A_41 : memref<2x128xf32, #tpu.memory_space<hbm>>) target(%arg9 : memref<2x128xf32, #tpu.memory_space<vmem>>) target_semaphore(%run_scoped3A : memref<!tpu.dma_semaphore, #tpu.memory_space<semaphore_mem>>)
      %dma_wait3A_42 = arith.constant 0 : i32
      %dma_wait3A_43 = tpu.memref_slice %arg3[%dma_wait3A_42, %mul3A_2] : memref<2x4096xf32, #tpu.memory_space<hbm>> -> memref<2x128xf32, #tpu.memory_space<hbm>>
      %dma_wait3A_44 = arith.constant 0 : i32
      %dma_wait3A_45 = tpu.memref_slice %arg3[%dma_wait3A_44, %mul3A_2] : memref<2x4096xf32, #tpu.memory_space<hbm>> -> memref<2x128xf32, #tpu.memory_space<hbm>>
      tpu.wait_dma2 semaphore(%run_scoped3A : memref<!tpu.dma_semaphore, #tpu.memory_space<semaphore_mem>>) src(%dma_wait3A_45 : memref<2x128xf32, #tpu.memory_space<hbm>>) dst(%arg9 : memref<2x128xf32, #tpu.memory_space<vmem>>)
      tpu.yield
    }) : () -> ()
    "tpu.region"() ({
      %run_scoped3A = tpu.sem_alloc : memref<!tpu.dma_semaphore, #tpu.memory_space<semaphore_mem>>
      %dma_start3A_38 = arith.constant 0 : i32
      %dma_start3A_39 = tpu.memref_slice %arg4[%dma_start3A_38, %mul3A_2] : memref<2x4096xf32, #tpu.memory_space<hbm>> -> memref<2x128xf32, #tpu.memory_space<hbm>>
      %dma_start3A_40 = arith.constant 0 : i32
      %dma_start3A_41 = tpu.memref_slice %arg4[%dma_start3A_40, %mul3A_2] : memref<2x4096xf32, #tpu.memory_space<hbm>> -> memref<2x128xf32, #tpu.memory_space<hbm>>
      tpu.enqueue_dma source(%dma_start3A_41 : memref<2x128xf32, #tpu.memory_space<hbm>>) target(%arg10 : memref<2x128xf32, #tpu.memory_space<vmem>>) target_semaphore(%run_scoped3A : memref<!tpu.dma_semaphore, #tpu.memory_space<semaphore_mem>>)
      %dma_wait3A_42 = arith.constant 0 : i32
      %dma_wait3A_43 = tpu.memref_slice %arg4[%dma_wait3A_42, %mul3A_2] : memref<2x4096xf32, #tpu.memory_space<hbm>> -> memref<2x128xf32, #tpu.memory_space<hbm>>
      %dma_wait3A_44 = arith.constant 0 : i32
      %dma_wait3A_45 = tpu.memref_slice %arg4[%dma_wait3A_44, %mul3A_2] : memref<2x4096xf32, #tpu.memory_space<hbm>> -> memref<2x128xf32, #tpu.memory_space<hbm>>
      tpu.wait_dma2 semaphore(%run_scoped3A : memref<!tpu.dma_semaphore, #tpu.memory_space<semaphore_mem>>) src(%dma_wait3A_45 : memref<2x128xf32, #tpu.memory_space<hbm>>) dst(%arg10 : memref<2x128xf32, #tpu.memory_space<vmem>>)
      tpu.yield
    }) : () -> ()
    "tpu.region"() ({
      %run_scoped3A = tpu.sem_alloc : memref<!tpu.dma_semaphore, #tpu.memory_space<semaphore_mem>>
      %dma_start3A_38 = arith.constant 0 : i32
      %dma_start3A_39 = tpu.memref_slice %arg5[%dma_start3A_38, %mul3A_2] : memref<9x4096xf32, #tpu.memory_space<hbm>> -> memref<9x128xf32, #tpu.memory_space<hbm>>
      %dma_start3A_40 = arith.constant 0 : i32
      %dma_start3A_41 = tpu.memref_slice %arg5[%dma_start3A_40, %mul3A_2] : memref<9x4096xf32, #tpu.memory_space<hbm>> -> memref<9x128xf32, #tpu.memory_space<hbm>>
      tpu.enqueue_dma source(%dma_start3A_41 : memref<9x128xf32, #tpu.memory_space<hbm>>) target(%arg11 : memref<9x128xf32, #tpu.memory_space<vmem>>) target_semaphore(%run_scoped3A : memref<!tpu.dma_semaphore, #tpu.memory_space<semaphore_mem>>)
      %dma_wait3A_42 = arith.constant 0 : i32
      %dma_wait3A_43 = tpu.memref_slice %arg5[%dma_wait3A_42, %mul3A_2] : memref<9x4096xf32, #tpu.memory_space<hbm>> -> memref<9x128xf32, #tpu.memory_space<hbm>>
      %dma_wait3A_44 = arith.constant 0 : i32
      %dma_wait3A_45 = tpu.memref_slice %arg5[%dma_wait3A_44, %mul3A_2] : memref<9x4096xf32, #tpu.memory_space<hbm>> -> memref<9x128xf32, #tpu.memory_space<hbm>>
      tpu.wait_dma2 semaphore(%run_scoped3A : memref<!tpu.dma_semaphore, #tpu.memory_space<semaphore_mem>>) src(%dma_wait3A_45 : memref<9x128xf32, #tpu.memory_space<hbm>>) dst(%arg11 : memref<9x128xf32, #tpu.memory_space<vmem>>)
      tpu.yield
    }) : () -> ()
    "tpu.region"() ({
      %run_scoped3A = tpu.sem_alloc : memref<!tpu.dma_semaphore, #tpu.memory_space<semaphore_mem>>
      tpu.enqueue_dma source(%arg6 : memref<96xf32, #tpu.memory_space<hbm>>) target(%arg12 : memref<96xf32, #tpu.memory_space<vmem>>) target_semaphore(%run_scoped3A : memref<!tpu.dma_semaphore, #tpu.memory_space<semaphore_mem>>)
      tpu.wait_dma2 semaphore(%run_scoped3A : memref<!tpu.dma_semaphore, #tpu.memory_space<semaphore_mem>>) src(%arg6 : memref<96xf32, #tpu.memory_space<hbm>>) dst(%arg12 : memref<96xf32, #tpu.memory_space<vmem>>)
      tpu.yield
    }) : () -> ()
    %broadcast_in_dim3A = arith.constant 0 : i32
    %broadcast_in_dim3A_12 = vector.broadcast %broadcast_in_dim3A : i32 to vector<16xi32>
    %broadcast_in_dim3A_13 = arith.constant 1.000000e+00 : f32
    %broadcast_in_dim3A_14 = vector.broadcast %broadcast_in_dim3A_13 : f32 to vector<16xf32>
    %shift_right_logical3A = arith.constant 2 : i32
    %shift_right_logical3A_15 = vector.broadcast %shift_right_logical3A : i32 to vector<16xi32>
    %shift_right_logical3A_16 = arith.shrui %iota3A, %shift_right_logical3A_15 : vector<16xi32>
    %and3A = arith.constant 3 : i32
    %and3A_17 = vector.broadcast %and3A : i32 to vector<16xi32>
    %and3A_18 = arith.andi %iota3A, %and3A_17 : vector<16xi32>
    %eq3A = arith.cmpi eq, %shift_right_logical3A_16, %and3A_18 : vector<16xi32>
    %ne3A = arith.constant 0 : i32
    %ne3A_19 = vector.broadcast %ne3A : i32 to vector<16xi32>
    %ne3A_20 = arith.cmpi ne, %and3A_18, %ne3A_19 : vector<16xi32>
    %and3A_21 = arith.andi %eq3A, %ne3A_20 : vector<16xi1>
    %convert_element_type3A = arith.extui %and3A_21 : vector<16xi1> to vector<16xi32>
    %convert_element_type3A_22 = arith.sitofp %convert_element_type3A : vector<16xi32> to vector<16xf32>
    %mul3A_23 = arith.constant 16 : i32
    %mul3A_24 = vector.broadcast %mul3A_23 : i32 to vector<16xi32>
    %mul3A_25 = arith.muli %iota3A, %mul3A_24 : vector<16xi32>
    %scan3A_26 = arith.constant 0 : i32
    %scan3A_27 = arith.constant 0 : i32
    %scan3A_28 = arith.constant 8 : i32
    %scan3A_29 = arith.addi %scan3A_27, %scan3A_28 : i32
    %scan3A_30 = arith.constant 1 : i32
    scf.for %scan3A_38 = %scan3A_27 to %scan3A_29 step %scan3A_30  : i32 {
      %mul3A_39 = arith.constant 16 : i32
      %mul3A_40 = arith.muli %scan3A_38, %mul3A_39 : i32
      %get3A = arith.constant 0 : i32
      %get3A_41 = arith.index_cast %get3A : i32 to index
      %get3A_42 = arith.index_cast %mul3A_40 : i32 to index
      %get3A_43 = tpu.vector_load %arg9[%get3A_41, %get3A_42] {strides = array<i32>} : memref<2x128xf32, #tpu.memory_space<vmem>>, vector<16xf32>,
      %get3A_44 = arith.constant 1 : i32
      %get3A_45 = arith.index_cast %get3A_44 : i32 to index
      %get3A_46 = arith.index_cast %mul3A_40 : i32 to index
      %get3A_47 = tpu.vector_load %arg9[%get3A_45, %get3A_46] {strides = array<i32>} : memref<2x128xf32, #tpu.memory_space<vmem>>, vector<16xf32>,
      %get3A_48 = arith.constant 0 : i32
      %get3A_49 = arith.index_cast %get3A_48 : i32 to index
      %get3A_50 = arith.index_cast %mul3A_40 : i32 to index
      %get3A_51 = tpu.vector_load %arg10[%get3A_49, %get3A_50] {strides = array<i32>} : memref<2x128xf32, #tpu.memory_space<vmem>>, vector<16xf32>,
      %get3A_52 = arith.constant 1 : i32
      %get3A_53 = arith.index_cast %get3A_52 : i32 to index
      %get3A_54 = arith.index_cast %mul3A_40 : i32 to index
      %get3A_55 = tpu.vector_load %arg10[%get3A_53, %get3A_54] {strides = array<i32>} : memref<2x128xf32, #tpu.memory_space<vmem>>, vector<16xf32>,
      %mul3A_56 = arith.mulf %get3A_43, %get3A_51 : vector<16xf32>
      %mul3A_57 = arith.mulf %get3A_43, %get3A_55 : vector<16xf32>
      %mul3A_58 = arith.mulf %get3A_47, %get3A_51 : vector<16xf32>
      %mul3A_59 = arith.mulf %get3A_47, %get3A_55 : vector<16xf32>
      %mul3A_60 = arith.constant 256 : i32
      %mul3A_61 = arith.muli %scan3A_38, %mul3A_60 : i32
      %add3A_62 = vector.broadcast %mul3A_61 : i32 to vector<16xi32>
      %add3A_63 = arith.addi %mul3A_25, %add3A_62 : vector<16xi32>
      %mul3A_64 = arith.constant 256 : i32
      %mul3A_65 = arith.muli %scan3A_38, %mul3A_64 : i32
      %add3A_66 = arith.constant 0 : i32
      %add3A_67 = arith.addi %mul3A_65, %add3A_66 : i32
      %swap3A = arith.index_cast %add3A_67 : i32 to index
      %swap3A_68 = tpu.vector_load %arg13[%swap3A] {strides = array<i32>} : memref<2048xf32, #tpu.memory_space<vmem>>, vector<16xf32>,
      tpu.vector_store %arg13[%swap3A], %convert_element_type3A_22 {strides = array<i32>} : memref<2048xf32, #tpu.memory_space<vmem>>, vector<16xf32>,
      %mul3A_69 = arith.constant 256 : i32
      %mul3A_70 = arith.muli %scan3A_38, %mul3A_69 : i32
      %add3A_71 = arith.constant 16 : i32
      %add3A_72 = arith.addi %mul3A_70, %add3A_71 : i32
      %swap3A_73 = arith.index_cast %add3A_72 : i32 to index
      %swap3A_74 = tpu.vector_load %arg13[%swap3A_73] {strides = array<i32>} : memref<2048xf32, #tpu.memory_space<vmem>>, vector<16xf32>,
      tpu.vector_store %arg13[%swap3A_73], %convert_element_type3A_22 {strides = array<i32>} : memref<2048xf32, #tpu.memory_space<vmem>>, vector<16xf32>,
      %mul3A_75 = arith.constant 256 : i32
      %mul3A_76 = arith.muli %scan3A_38, %mul3A_75 : i32
      %add3A_77 = arith.constant 32 : i32
      %add3A_78 = arith.addi %mul3A_76, %add3A_77 : i32
      %swap3A_79 = arith.index_cast %add3A_78 : i32 to index
      %swap3A_80 = tpu.vector_load %arg13[%swap3A_79] {strides = array<i32>} : memref<2048xf32, #tpu.memory_space<vmem>>, vector<16xf32>,
      tpu.vector_store %arg13[%swap3A_79], %convert_element_type3A_22 {strides = array<i32>} : memref<2048xf32, #tpu.memory_space<vmem>>, vector<16xf32>,
      %mul3A_81 = arith.constant 256 : i32
      %mul3A_82 = arith.muli %scan3A_38, %mul3A_81 : i32
      %add3A_83 = arith.constant 48 : i32
      %add3A_84 = arith.addi %mul3A_82, %add3A_83 : i32
      %swap3A_85 = arith.index_cast %add3A_84 : i32 to index
      %swap3A_86 = tpu.vector_load %arg13[%swap3A_85] {strides = array<i32>} : memref<2048xf32, #tpu.memory_space<vmem>>, vector<16xf32>,
      tpu.vector_store %arg13[%swap3A_85], %convert_element_type3A_22 {strides = array<i32>} : memref<2048xf32, #tpu.memory_space<vmem>>, vector<16xf32>,
      %mul3A_87 = arith.constant 256 : i32
      %mul3A_88 = arith.muli %scan3A_38, %mul3A_87 : i32
      %add3A_89 = arith.constant 64 : i32
      %add3A_90 = arith.addi %mul3A_88, %add3A_89 : i32
      %swap3A_91 = arith.index_cast %add3A_90 : i32 to index
      %swap3A_92 = tpu.vector_load %arg13[%swap3A_91] {strides = array<i32>} : memref<2048xf32, #tpu.memory_space<vmem>>, vector<16xf32>,
      tpu.vector_store %arg13[%swap3A_91], %convert_element_type3A_22 {strides = array<i32>} : memref<2048xf32, #tpu.memory_space<vmem>>, vector<16xf32>,
      %mul3A_93 = arith.constant 256 : i32
      %mul3A_94 = arith.muli %scan3A_38, %mul3A_93 : i32
      %add3A_95 = arith.constant 80 : i32
      %add3A_96 = arith.addi %mul3A_94, %add3A_95 : i32
      %swap3A_97 = arith.index_cast %add3A_96 : i32 to index
      %swap3A_98 = tpu.vector_load %arg13[%swap3A_97] {strides = array<i32>} : memref<2048xf32, #tpu.memory_space<vmem>>, vector<16xf32>,
      tpu.vector_store %arg13[%swap3A_97], %convert_element_type3A_22 {strides = array<i32>} : memref<2048xf32, #tpu.memory_space<vmem>>, vector<16xf32>,
      %mul3A_99 = arith.constant 256 : i32
      %mul3A_100 = arith.muli %scan3A_38, %mul3A_99 : i32
      %add3A_101 = arith.constant 96 : i32
      %add3A_102 = arith.addi %mul3A_100, %add3A_101 : i32
      %swap3A_103 = arith.index_cast %add3A_102 : i32 to index
      %swap3A_104 = tpu.vector_load %arg13[%swap3A_103] {strides = array<i32>} : memref<2048xf32, #tpu.memory_space<vmem>>, vector<16xf32>,
      tpu.vector_store %arg13[%swap3A_103], %convert_element_type3A_22 {strides = array<i32>} : memref<2048xf32, #tpu.memory_space<vmem>>, vector<16xf32>,
      %mul3A_105 = arith.constant 256 : i32
      %mul3A_106 = arith.muli %scan3A_38, %mul3A_105 : i32
      %add3A_107 = arith.constant 112 : i32
      %add3A_108 = arith.addi %mul3A_106, %add3A_107 : i32
      %swap3A_109 = arith.index_cast %add3A_108 : i32 to index
      %swap3A_110 = tpu.vector_load %arg13[%swap3A_109] {strides = array<i32>} : memref<2048xf32, #tpu.memory_space<vmem>>, vector<16xf32>,
      tpu.vector_store %arg13[%swap3A_109], %convert_element_type3A_22 {strides = array<i32>} : memref<2048xf32, #tpu.memory_space<vmem>>, vector<16xf32>,
      %mul3A_111 = arith.constant 256 : i32
      %mul3A_112 = arith.muli %scan3A_38, %mul3A_111 : i32
      %add3A_113 = arith.constant 128 : i32
      %add3A_114 = arith.addi %mul3A_112, %add3A_113 : i32
      %swap3A_115 = arith.index_cast %add3A_114 : i32 to index
      %swap3A_116 = tpu.vector_load %arg13[%swap3A_115] {strides = array<i32>} : memref<2048xf32, #tpu.memory_space<vmem>>, vector<16xf32>,
      tpu.vector_store %arg13[%swap3A_115], %convert_element_type3A_22 {strides = array<i32>} : memref<2048xf32, #tpu.memory_space<vmem>>, vector<16xf32>,
      %mul3A_117 = arith.constant 256 : i32
      %mul3A_118 = arith.muli %scan3A_38, %mul3A_117 : i32
      %add3A_119 = arith.constant 144 : i32
      %add3A_120 = arith.addi %mul3A_118, %add3A_119 : i32
      %swap3A_121 = arith.index_cast %add3A_120 : i32 to index
      %swap3A_122 = tpu.vector_load %arg13[%swap3A_121] {strides = array<i32>} : memref<2048xf32, #tpu.memory_space<vmem>>, vector<16xf32>,
      tpu.vector_store %arg13[%swap3A_121], %convert_element_type3A_22 {strides = array<i32>} : memref<2048xf32, #tpu.memory_space<vmem>>, vector<16xf32>,
      %mul3A_123 = arith.constant 256 : i32
      %mul3A_124 = arith.muli %scan3A_38, %mul3A_123 : i32
      %add3A_125 = arith.constant 160 : i32
      %add3A_126 = arith.addi %mul3A_124, %add3A_125 : i32
      %swap3A_127 = arith.index_cast %add3A_126 : i32 to index
      %swap3A_128 = tpu.vector_load %arg13[%swap3A_127] {strides = array<i32>} : memref<2048xf32, #tpu.memory_space<vmem>>, vector<16xf32>,
      tpu.vector_store %arg13[%swap3A_127], %convert_element_type3A_22 {strides = array<i32>} : memref<2048xf32, #tpu.memory_space<vmem>>, vector<16xf32>,
      %mul3A_129 = arith.constant 256 : i32
      %mul3A_130 = arith.muli %scan3A_38, %mul3A_129 : i32
      %add3A_131 = arith.constant 176 : i32
      %add3A_132 = arith.addi %mul3A_130, %add3A_131 : i32
      %swap3A_133 = arith.index_cast %add3A_132 : i32 to index
      %swap3A_134 = tpu.vector_load %arg13[%swap3A_133] {strides = array<i32>} : memref<2048xf32, #tpu.memory_space<vmem>>, vector<16xf32>,
      tpu.vector_store %arg13[%swap3A_133], %convert_element_type3A_22 {strides = array<i32>} : memref<2048xf32, #tpu.memory_space<vmem>>, vector<16xf32>,
      %mul3A_135 = arith.constant 256 : i32
      %mul3A_136 = arith.muli %scan3A_38, %mul3A_135 : i32
      %add3A_137 = arith.constant 192 : i32
      %add3A_138 = arith.addi %mul3A_136, %add3A_137 : i32
      %swap3A_139 = arith.index_cast %add3A_138 : i32 to index
      %swap3A_140 = tpu.vector_load %arg13[%swap3A_139] {strides = array<i32>} : memref<2048xf32, #tpu.memory_space<vmem>>, vector<16xf32>,
      tpu.vector_store %arg13[%swap3A_139], %convert_element_type3A_22 {strides = array<i32>} : memref<2048xf32, #tpu.memory_space<vmem>>, vector<16xf32>,
      %mul3A_141 = arith.constant 256 : i32
      %mul3A_142 = arith.muli %scan3A_38, %mul3A_141 : i32
      %add3A_143 = arith.constant 208 : i32
      %add3A_144 = arith.addi %mul3A_142, %add3A_143 : i32
      %swap3A_145 = arith.index_cast %add3A_144 : i32 to index
      %swap3A_146 = tpu.vector_load %arg13[%swap3A_145] {strides = array<i32>} : memref<2048xf32, #tpu.memory_space<vmem>>, vector<16xf32>,
      tpu.vector_store %arg13[%swap3A_145], %convert_element_type3A_22 {strides = array<i32>} : memref<2048xf32, #tpu.memory_space<vmem>>, vector<16xf32>,
      %mul3A_147 = arith.constant 256 : i32
      %mul3A_148 = arith.muli %scan3A_38, %mul3A_147 : i32
      %add3A_149 = arith.constant 224 : i32
      %add3A_150 = arith.addi %mul3A_148, %add3A_149 : i32
      %swap3A_151 = arith.index_cast %add3A_150 : i32 to index
      %swap3A_152 = tpu.vector_load %arg13[%swap3A_151] {strides = array<i32>} : memref<2048xf32, #tpu.memory_space<vmem>>, vector<16xf32>,
      tpu.vector_store %arg13[%swap3A_151], %convert_element_type3A_22 {strides = array<i32>} : memref<2048xf32, #tpu.memory_space<vmem>>, vector<16xf32>,
      %mul3A_153 = arith.constant 256 : i32
      %mul3A_154 = arith.muli %scan3A_38, %mul3A_153 : i32
      %add3A_155 = arith.constant 240 : i32
      %add3A_156 = arith.addi %mul3A_154, %add3A_155 : i32
      %swap3A_157 = arith.index_cast %add3A_156 : i32 to index
      %swap3A_158 = tpu.vector_load %arg13[%swap3A_157] {strides = array<i32>} : memref<2048xf32, #tpu.memory_space<vmem>>, vector<16xf32>,
      tpu.vector_store %arg13[%swap3A_157], %convert_element_type3A_22 {strides = array<i32>} : memref<2048xf32, #tpu.memory_space<vmem>>, vector<16xf32>,
      %add3A_159 = arith.constant 8 : i32
      %add3A_160 = vector.broadcast %add3A_159 : i32 to vector<16xi32>
      %add3A_161 = arith.addi %broadcast_in_dim3A_12, %add3A_160 : vector<16xi32>
      %gather3A = tpu.vector_load_idx %arg12[%add3A_161] : memref<96xf32, #tpu.memory_space<vmem>>[vector<16xi32>], vector<16xf32>,
      %add3A_162 = arith.constant 9 : i32
      %add3A_163 = vector.broadcast %add3A_162 : i32 to vector<16xi32>
      %add3A_164 = arith.addi %broadcast_in_dim3A_12, %add3A_163 : vector<16xi32>
      %gather3A_165 = tpu.vector_load_idx %arg12[%add3A_164] : memref<96xf32, #tpu.memory_space<vmem>>[vector<16xi32>], vector<16xf32>,
      %add3A_166 = arith.constant 10 : i32
      %add3A_167 = vector.broadcast %add3A_166 : i32 to vector<16xi32>
      %add3A_168 = arith.addi %broadcast_in_dim3A_12, %add3A_167 : vector<16xi32>
      %gather3A_169 = tpu.vector_load_idx %arg12[%add3A_168] : memref<96xf32, #tpu.memory_space<vmem>>[vector<16xi32>], vector<16xf32>,
      %add3A_170 = arith.constant 11 : i32
      %add3A_171 = vector.broadcast %add3A_170 : i32 to vector<16xi32>
      %add3A_172 = arith.addi %broadcast_in_dim3A_12, %add3A_171 : vector<16xi32>
      %gather3A_173 = tpu.vector_load_idx %arg12[%add3A_172] : memref<96xf32, #tpu.memory_space<vmem>>[vector<16xi32>], vector<16xf32>,
      %add3A_174 = arith.constant 12 : i32
      %add3A_175 = vector.broadcast %add3A_174 : i32 to vector<16xi32>
      %add3A_176 = arith.addi %broadcast_in_dim3A_12, %add3A_175 : vector<16xi32>
      %gather3A_177 = tpu.vector_load_idx %arg12[%add3A_176] : memref<96xf32, #tpu.memory_space<vmem>>[vector<16xi32>], vector<16xf32>,
      %add3A_178 = arith.constant 13 : i32
      %add3A_179 = vector.broadcast %add3A_178 : i32 to vector<16xi32>
      %add3A_180 = arith.addi %broadcast_in_dim3A_12, %add3A_179 : vector<16xi32>
      %gather3A_181 = tpu.vector_load_idx %arg12[%add3A_180] : memref<96xf32, #tpu.memory_space<vmem>>[vector<16xi32>], vector<16xf32>,
      %add3A_182 = arith.constant 14 : i32
      %add3A_183 = vector.broadcast %add3A_182 : i32 to vector<16xi32>
      %add3A_184 = arith.addi %broadcast_in_dim3A_12, %add3A_183 : vector<16xi32>
      %gather3A_185 = tpu.vector_load_idx %arg12[%add3A_184] : memref<96xf32, #tpu.memory_space<vmem>>[vector<16xi32>], vector<16xf32>,
      %add3A_186 = arith.constant 15 : i32
      %add3A_187 = vector.broadcast %add3A_186 : i32 to vector<16xi32>
      %add3A_188 = arith.addi %broadcast_in_dim3A_12, %add3A_187 : vector<16xi32>
      %gather3A_189 = tpu.vector_load_idx %arg12[%add3A_188] : memref<96xf32, #tpu.memory_space<vmem>>[vector<16xi32>], vector<16xf32>,
      %mul3A_190 = arith.mulf %mul3A_56, %gather3A : vector<16xf32>
      %mul3A_191 = arith.mulf %mul3A_57, %gather3A_165 : vector<16xf32>
      %add3A_192 = arith.addf %mul3A_190, %mul3A_191 : vector<16xf32>
      %mul3A_193 = arith.mulf %mul3A_58, %gather3A_169 : vector<16xf32>
      %add3A_194 = arith.addf %add3A_192, %mul3A_193 : vector<16xf32>
      %mul3A_195 = arith.mulf %mul3A_59, %gather3A_173 : vector<16xf32>
      %add3A_196 = arith.addf %add3A_194, %mul3A_195 : vector<16xf32>
      %mul3A_197 = arith.mulf %mul3A_56, %gather3A_177 : vector<16xf32>
      %mul3A_198 = arith.mulf %mul3A_57, %gather3A_181 : vector<16xf32>
      %add3A_199 = arith.addf %mul3A_197, %mul3A_198 : vector<16xf32>
      %mul3A_200 = arith.mulf %mul3A_58, %gather3A_185 : vector<16xf32>
      %add3A_201 = arith.addf %add3A_199, %mul3A_200 : vector<16xf32>
      %mul3A_202 = arith.mulf %mul3A_59, %gather3A_189 : vector<16xf32>
      %add3A_203 = arith.addf %add3A_201, %mul3A_202 : vector<16xf32>
      %mul3A_204 = arith.mulf %add3A_196, %add3A_196 : vector<16xf32>
      %mul3A_205 = arith.mulf %add3A_203, %add3A_203 : vector<16xf32>
      %add3A_206 = arith.addf %mul3A_204, %mul3A_205 : vector<16xf32>
      %max3A = arith.constant 1.000000e-30 : f32
      %max3A_207 = vector.broadcast %max3A : f32 to vector<16xf32>
      %max3A_208 = arith.maximumf %add3A_206, %max3A_207 : vector<16xf32>
      %bitcast3A = vector.bitcast %max3A_208 : vector<16xf32> to vector<16xi32>
      %shift_right_logical3A_209 = arith.constant 1 : i32
      %shift_right_logical3A_210 = vector.broadcast %shift_right_logical3A_209 : i32 to vector<16xi32>
      %shift_right_logical3A_211 = arith.shrui %bitcast3A, %shift_right_logical3A_210 : vector<16xi32>
      %sub3A = arith.constant 1597463007 : i32
      %sub3A_212 = vector.broadcast %sub3A : i32 to vector<16xi32>
      %sub3A_213 = arith.subi %sub3A_212, %shift_right_logical3A_211 : vector<16xi32>
      %bitcast3A_214 = vector.bitcast %sub3A_213 : vector<16xi32> to vector<16xf32>
      %mul3A_215 = arith.constant 5.000000e-01 : f32
      %mul3A_216 = vector.broadcast %mul3A_215 : f32 to vector<16xf32>
      %mul3A_217 = arith.mulf %mul3A_216, %max3A_208 : vector<16xf32>
      %mul3A_218 = arith.mulf %mul3A_217, %bitcast3A_214 : vector<16xf32>
      %mul3A_219 = arith.mulf %mul3A_218, %bitcast3A_214 : vector<16xf32>
      %sub3A_220 = arith.constant 1.500000e+00 : f32
      %sub3A_221 = vector.broadcast %sub3A_220 : f32 to vector<16xf32>
      %sub3A_222 = arith.subf %sub3A_221, %mul3A_219 : vector<16xf32>
      %mul3A_223 = arith.mulf %bitcast3A_214, %sub3A_222 : vector<16xf32>
      %mul3A_224 = arith.constant 5.000000e-01 : f32
      %mul3A_225 = vector.broadcast %mul3A_224 : f32 to vector<16xf32>
      %mul3A_226 = arith.mulf %mul3A_225, %max3A_208 : vector<16xf32>
      %mul3A_227 = arith.mulf %mul3A_226, %mul3A_223 : vector<16xf32>
      %mul3A_228 = arith.mulf %mul3A_227, %mul3A_223 : vector<16xf32>
      %sub3A_229 = arith.constant 1.500000e+00 : f32
      %sub3A_230 = vector.broadcast %sub3A_229 : f32 to vector<16xf32>
      %sub3A_231 = arith.subf %sub3A_230, %mul3A_228 : vector<16xf32>
      %mul3A_232 = arith.mulf %mul3A_223, %sub3A_231 : vector<16xf32>
      %mul3A_233 = arith.constant 5.000000e-01 : f32
      %mul3A_234 = vector.broadcast %mul3A_233 : f32 to vector<16xf32>
      %mul3A_235 = arith.mulf %mul3A_234, %max3A_208 : vector<16xf32>
      %mul3A_236 = arith.mulf %mul3A_235, %mul3A_232 : vector<16xf32>
      %mul3A_237 = arith.mulf %mul3A_236, %mul3A_232 : vector<16xf32>
      %sub3A_238 = arith.constant 1.500000e+00 : f32
      %sub3A_239 = vector.broadcast %sub3A_238 : f32 to vector<16xf32>
      %sub3A_240 = arith.subf %sub3A_239, %mul3A_237 : vector<16xf32>
      %mul3A_241 = arith.mulf %mul3A_232, %sub3A_240 : vector<16xf32>
      %mul3A_242 = arith.mulf %add3A_206, %mul3A_241 : vector<16xf32>
      %mul3A_243 = arith.constant -1.000000e+01 : f32
      %mul3A_244 = vector.broadcast %mul3A_243 : f32 to vector<16xf32>
      %mul3A_245 = arith.mulf %mul3A_244, %mul3A_242 : vector<16xf32>
      %exp3A = math.exp %mul3A_245 : vector<16xf32>
      %add3A_246 = arith.constant 1 : i32
      %add3A_247 = vector.broadcast %add3A_246 : i32 to vector<16xi32>
      %add3A_248 = arith.addi %add3A_63, %add3A_247 : vector<16xi32>
      tpu.vector_store_idx %arg13[%add3A_248], %exp3A : memref<2048xf32, #tpu.memory_space<vmem>>[vector<16xi32>], vector<16xf32>,
      %add3A_249 = arith.constant 16 : i32
      %add3A_250 = vector.broadcast %add3A_249 : i32 to vector<16xi32>
      %add3A_251 = arith.addi %broadcast_in_dim3A_12, %add3A_250 : vector<16xi32>
      %gather3A_252 = tpu.vector_load_idx %arg12[%add3A_251] : memref<96xf32, #tpu.memory_space<vmem>>[vector<16xi32>], vector<16xf32>,
      %add3A_253 = arith.constant 17 : i32
      %add3A_254 = vector.broadcast %add3A_253 : i32 to vector<16xi32>
      %add3A_255 = arith.addi %broadcast_in_dim3A_12, %add3A_254 : vector<16xi32>
      %gather3A_256 = tpu.vector_load_idx %arg12[%add3A_255] : memref<96xf32, #tpu.memory_space<vmem>>[vector<16xi32>], vector<16xf32>,
      %add3A_257 = arith.constant 18 : i32
      %add3A_258 = vector.broadcast %add3A_257 : i32 to vector<16xi32>
      %add3A_259 = arith.addi %broadcast_in_dim3A_12, %add3A_258 : vector<16xi32>
      %gather3A_260 = tpu.vector_load_idx %arg12[%add3A_259] : memref<96xf32, #tpu.memory_space<vmem>>[vector<16xi32>], vector<16xf32>,
      %add3A_261 = arith.constant 19 : i32
      %add3A_262 = vector.broadcast %add3A_261 : i32 to vector<16xi32>
      %add3A_263 = arith.addi %broadcast_in_dim3A_12, %add3A_262 : vector<16xi32>
      %gather3A_264 = tpu.vector_load_idx %arg12[%add3A_263] : memref<96xf32, #tpu.memory_space<vmem>>[vector<16xi32>], vector<16xf32>,
      %add3A_265 = arith.constant 20 : i32
      %add3A_266 = vector.broadcast %add3A_265 : i32 to vector<16xi32>
      %add3A_267 = arith.addi %broadcast_in_dim3A_12, %add3A_266 : vector<16xi32>
      %gather3A_268 = tpu.vector_load_idx %arg12[%add3A_267] : memref<96xf32, #tpu.memory_space<vmem>>[vector<16xi32>], vector<16xf32>,
      %add3A_269 = arith.constant 21 : i32
      %add3A_270 = vector.broadcast %add3A_269 : i32 to vector<16xi32>
      %add3A_271 = arith.addi %broadcast_in_dim3A_12, %add3A_270 : vector<16xi32>
      %gather3A_272 = tpu.vector_load_idx %arg12[%add3A_271] : memref<96xf32, #tpu.memory_space<vmem>>[vector<16xi32>], vector<16xf32>,
      %add3A_273 = arith.constant 22 : i32
      %add3A_274 = vector.broadcast %add3A_273 : i32 to vector<16xi32>
      %add3A_275 = arith.addi %broadcast_in_dim3A_12, %add3A_274 : vector<16xi32>
      %gather3A_276 = tpu.vector_load_idx %arg12[%add3A_275] : memref<96xf32, #tpu.memory_space<vmem>>[vector<16xi32>], vector<16xf32>,
      %add3A_277 = arith.constant 23 : i32
      %add3A_278 = vector.broadcast %add3A_277 : i32 to vector<16xi32>
      %add3A_279 = arith.addi %broadcast_in_dim3A_12, %add3A_278 : vector<16xi32>
      %gather3A_280 = tpu.vector_load_idx %arg12[%add3A_279] : memref<96xf32, #tpu.memory_space<vmem>>[vector<16xi32>], vector<16xf32>,
      %mul3A_281 = arith.mulf %mul3A_56, %gather3A_252 : vector<16xf32>
      %mul3A_282 = arith.mulf %mul3A_57, %gather3A_256 : vector<16xf32>
      %add3A_283 = arith.addf %mul3A_281, %mul3A_282 : vector<16xf32>
      %mul3A_284 = arith.mulf %mul3A_58, %gather3A_260 : vector<16xf32>
      %add3A_285 = arith.addf %add3A_283, %mul3A_284 : vector<16xf32>
      %mul3A_286 = arith.mulf %mul3A_59, %gather3A_264 : vector<16xf32>
      %add3A_287 = arith.addf %add3A_285, %mul3A_286 : vector<16xf32>
      %mul3A_288 = arith.mulf %mul3A_56, %gather3A_268 : vector<16xf32>
      %mul3A_289 = arith.mulf %mul3A_57, %gather3A_272 : vector<16xf32>
      %add3A_290 = arith.addf %mul3A_288, %mul3A_289 : vector<16xf32>
      %mul3A_291 = arith.mulf %mul3A_58, %gather3A_276 : vector<16xf32>
      %add3A_292 = arith.addf %add3A_290, %mul3A_291 : vector<16xf32>
      %mul3A_293 = arith.mulf %mul3A_59, %gather3A_280 : vector<16xf32>
      %add3A_294 = arith.addf %add3A_292, %mul3A_293 : vector<16xf32>
      %mul3A_295 = arith.mulf %add3A_287, %add3A_287 : vector<16xf32>
      %mul3A_296 = arith.mulf %add3A_294, %add3A_294 : vector<16xf32>
      %add3A_297 = arith.addf %mul3A_295, %mul3A_296 : vector<16xf32>
      %max3A_298 = arith.constant 1.000000e-30 : f32
      %max3A_299 = vector.broadcast %max3A_298 : f32 to vector<16xf32>
      %max3A_300 = arith.maximumf %add3A_297, %max3A_299 : vector<16xf32>
      %bitcast3A_301 = vector.bitcast %max3A_300 : vector<16xf32> to vector<16xi32>
      %shift_right_logical3A_302 = arith.constant 1 : i32
      %shift_right_logical3A_303 = vector.broadcast %shift_right_logical3A_302 : i32 to vector<16xi32>
      %shift_right_logical3A_304 = arith.shrui %bitcast3A_301, %shift_right_logical3A_303 : vector<16xi32>
      %sub3A_305 = arith.constant 1597463007 : i32
      %sub3A_306 = vector.broadcast %sub3A_305 : i32 to vector<16xi32>
      %sub3A_307 = arith.subi %sub3A_306, %shift_right_logical3A_304 : vector<16xi32>
      %bitcast3A_308 = vector.bitcast %sub3A_307 : vector<16xi32> to vector<16xf32>
      %mul3A_309 = arith.constant 5.000000e-01 : f32
      %mul3A_310 = vector.broadcast %mul3A_309 : f32 to vector<16xf32>
      %mul3A_311 = arith.mulf %mul3A_310, %max3A_300 : vector<16xf32>
      %mul3A_312 = arith.mulf %mul3A_311, %bitcast3A_308 : vector<16xf32>
      %mul3A_313 = arith.mulf %mul3A_312, %bitcast3A_308 : vector<16xf32>
      %sub3A_314 = arith.constant 1.500000e+00 : f32
      %sub3A_315 = vector.broadcast %sub3A_314 : f32 to vector<16xf32>
      %sub3A_316 = arith.subf %sub3A_315, %mul3A_313 : vector<16xf32>
      %mul3A_317 = arith.mulf %bitcast3A_308, %sub3A_316 : vector<16xf32>
      %mul3A_318 = arith.constant 5.000000e-01 : f32
      %mul3A_319 = vector.broadcast %mul3A_318 : f32 to vector<16xf32>
      %mul3A_320 = arith.mulf %mul3A_319, %max3A_300 : vector<16xf32>
      %mul3A_321 = arith.mulf %mul3A_320, %mul3A_317 : vector<16xf32>
      %mul3A_322 = arith.mulf %mul3A_321, %mul3A_317 : vector<16xf32>
      %sub3A_323 = arith.constant 1.500000e+00 : f32
      %sub3A_324 = vector.broadcast %sub3A_323 : f32 to vector<16xf32>
      %sub3A_325 = arith.subf %sub3A_324, %mul3A_322 : vector<16xf32>
      %mul3A_326 = arith.mulf %mul3A_317, %sub3A_325 : vector<16xf32>
      %mul3A_327 = arith.constant 5.000000e-01 : f32
      %mul3A_328 = vector.broadcast %mul3A_327 : f32 to vector<16xf32>
      %mul3A_329 = arith.mulf %mul3A_328, %max3A_300 : vector<16xf32>
      %mul3A_330 = arith.mulf %mul3A_329, %mul3A_326 : vector<16xf32>
      %mul3A_331 = arith.mulf %mul3A_330, %mul3A_326 : vector<16xf32>
      %sub3A_332 = arith.constant 1.500000e+00 : f32
      %sub3A_333 = vector.broadcast %sub3A_332 : f32 to vector<16xf32>
      %sub3A_334 = arith.subf %sub3A_333, %mul3A_331 : vector<16xf32>
      %mul3A_335 = arith.mulf %mul3A_326, %sub3A_334 : vector<16xf32>
      %mul3A_336 = arith.mulf %add3A_297, %mul3A_335 : vector<16xf32>
      %mul3A_337 = arith.constant -1.000000e+01 : f32
      %mul3A_338 = vector.broadcast %mul3A_337 : f32 to vector<16xf32>
      %mul3A_339 = arith.mulf %mul3A_338, %mul3A_336 : vector<16xf32>
      %exp3A_340 = math.exp %mul3A_339 : vector<16xf32>
      %add3A_341 = arith.constant 2 : i32
      %add3A_342 = vector.broadcast %add3A_341 : i32 to vector<16xi32>
      %add3A_343 = arith.addi %add3A_63, %add3A_342 : vector<16xi32>
      tpu.vector_store_idx %arg13[%add3A_343], %exp3A_340 : memref<2048xf32, #tpu.memory_space<vmem>>[vector<16xi32>], vector<16xf32>,
      %add3A_344 = arith.constant 24 : i32
      %add3A_345 = vector.broadcast %add3A_344 : i32 to vector<16xi32>
      %add3A_346 = arith.addi %broadcast_in_dim3A_12, %add3A_345 : vector<16xi32>
      %gather3A_347 = tpu.vector_load_idx %arg12[%add3A_346] : memref<96xf32, #tpu.memory_space<vmem>>[vector<16xi32>], vector<16xf32>,
      %add3A_348 = arith.constant 25 : i32
      %add3A_349 = vector.broadcast %add3A_348 : i32 to vector<16xi32>
      %add3A_350 = arith.addi %broadcast_in_dim3A_12, %add3A_349 : vector<16xi32>
      %gather3A_351 = tpu.vector_load_idx %arg12[%add3A_350] : memref<96xf32, #tpu.memory_space<vmem>>[vector<16xi32>], vector<16xf32>,
      %add3A_352 = arith.constant 26 : i32
      %add3A_353 = vector.broadcast %add3A_352 : i32 to vector<16xi32>
      %add3A_354 = arith.addi %broadcast_in_dim3A_12, %add3A_353 : vector<16xi32>
      %gather3A_355 = tpu.vector_load_idx %arg12[%add3A_354] : memref<96xf32, #tpu.memory_space<vmem>>[vector<16xi32>], vector<16xf32>,
      %add3A_356 = arith.constant 27 : i32
      %add3A_357 = vector.broadcast %add3A_356 : i32 to vector<16xi32>
      %add3A_358 = arith.addi %broadcast_in_dim3A_12, %add3A_357 : vector<16xi32>
      %gather3A_359 = tpu.vector_load_idx %arg12[%add3A_358] : memref<96xf32, #tpu.memory_space<vmem>>[vector<16xi32>], vector<16xf32>,
      %add3A_360 = arith.constant 28 : i32
      %add3A_361 = vector.broadcast %add3A_360 : i32 to vector<16xi32>
      %add3A_362 = arith.addi %broadcast_in_dim3A_12, %add3A_361 : vector<16xi32>
      %gather3A_363 = tpu.vector_load_idx %arg12[%add3A_362] : memref<96xf32, #tpu.memory_space<vmem>>[vector<16xi32>], vector<16xf32>,
      %add3A_364 = arith.constant 29 : i32
      %add3A_365 = vector.broadcast %add3A_364 : i32 to vector<16xi32>
      %add3A_366 = arith.addi %broadcast_in_dim3A_12, %add3A_365 : vector<16xi32>
      %gather3A_367 = tpu.vector_load_idx %arg12[%add3A_366] : memref<96xf32, #tpu.memory_space<vmem>>[vector<16xi32>], vector<16xf32>,
      %add3A_368 = arith.constant 30 : i32
      %add3A_369 = vector.broadcast %add3A_368 : i32 to vector<16xi32>
      %add3A_370 = arith.addi %broadcast_in_dim3A_12, %add3A_369 : vector<16xi32>
      %gather3A_371 = tpu.vector_load_idx %arg12[%add3A_370] : memref<96xf32, #tpu.memory_space<vmem>>[vector<16xi32>], vector<16xf32>,
      %add3A_372 = arith.constant 31 : i32
      %add3A_373 = vector.broadcast %add3A_372 : i32 to vector<16xi32>
      %add3A_374 = arith.addi %broadcast_in_dim3A_12, %add3A_373 : vector<16xi32>
      %gather3A_375 = tpu.vector_load_idx %arg12[%add3A_374] : memref<96xf32, #tpu.memory_space<vmem>>[vector<16xi32>], vector<16xf32>,
      %mul3A_376 = arith.mulf %mul3A_56, %gather3A_347 : vector<16xf32>
      %mul3A_377 = arith.mulf %mul3A_57, %gather3A_351 : vector<16xf32>
      %add3A_378 = arith.addf %mul3A_376, %mul3A_377 : vector<16xf32>
      %mul3A_379 = arith.mulf %mul3A_58, %gather3A_355 : vector<16xf32>
      %add3A_380 = arith.addf %add3A_378, %mul3A_379 : vector<16xf32>
      %mul3A_381 = arith.mulf %mul3A_59, %gather3A_359 : vector<16xf32>
      %add3A_382 = arith.addf %add3A_380, %mul3A_381 : vector<16xf32>
      %mul3A_383 = arith.mulf %mul3A_56, %gather3A_363 : vector<16xf32>
      %mul3A_384 = arith.mulf %mul3A_57, %gather3A_367 : vector<16xf32>
      %add3A_385 = arith.addf %mul3A_383, %mul3A_384 : vector<16xf32>
      %mul3A_386 = arith.mulf %mul3A_58, %gather3A_371 : vector<16xf32>
      %add3A_387 = arith.addf %add3A_385, %mul3A_386 : vector<16xf32>
      %mul3A_388 = arith.mulf %mul3A_59, %gather3A_375 : vector<16xf32>
      %add3A_389 = arith.addf %add3A_387, %mul3A_388 : vector<16xf32>
      %mul3A_390 = arith.mulf %add3A_382, %add3A_382 : vector<16xf32>
      %mul3A_391 = arith.mulf %add3A_389, %add3A_389 : vector<16xf32>
      %add3A_392 = arith.addf %mul3A_390, %mul3A_391 : vector<16xf32>
      %max3A_393 = arith.constant 1.000000e-30 : f32
      %max3A_394 = vector.broadcast %max3A_393 : f32 to vector<16xf32>
      %max3A_395 = arith.maximumf %add3A_392, %max3A_394 : vector<16xf32>
      %bitcast3A_396 = vector.bitcast %max3A_395 : vector<16xf32> to vector<16xi32>
      %shift_right_logical3A_397 = arith.constant 1 : i32
      %shift_right_logical3A_398 = vector.broadcast %shift_right_logical3A_397 : i32 to vector<16xi32>
      %shift_right_logical3A_399 = arith.shrui %bitcast3A_396, %shift_right_logical3A_398 : vector<16xi32>
      %sub3A_400 = arith.constant 1597463007 : i32
      %sub3A_401 = vector.broadcast %sub3A_400 : i32 to vector<16xi32>
      %sub3A_402 = arith.subi %sub3A_401, %shift_right_logical3A_399 : vector<16xi32>
      %bitcast3A_403 = vector.bitcast %sub3A_402 : vector<16xi32> to vector<16xf32>
      %mul3A_404 = arith.constant 5.000000e-01 : f32
      %mul3A_405 = vector.broadcast %mul3A_404 : f32 to vector<16xf32>
      %mul3A_406 = arith.mulf %mul3A_405, %max3A_395 : vector<16xf32>
      %mul3A_407 = arith.mulf %mul3A_406, %bitcast3A_403 : vector<16xf32>
      %mul3A_408 = arith.mulf %mul3A_407, %bitcast3A_403 : vector<16xf32>
      %sub3A_409 = arith.constant 1.500000e+00 : f32
      %sub3A_410 = vector.broadcast %sub3A_409 : f32 to vector<16xf32>
      %sub3A_411 = arith.subf %sub3A_410, %mul3A_408 : vector<16xf32>
      %mul3A_412 = arith.mulf %bitcast3A_403, %sub3A_411 : vector<16xf32>
      %mul3A_413 = arith.constant 5.000000e-01 : f32
      %mul3A_414 = vector.broadcast %mul3A_413 : f32 to vector<16xf32>
      %mul3A_415 = arith.mulf %mul3A_414, %max3A_395 : vector<16xf32>
      %mul3A_416 = arith.mulf %mul3A_415, %mul3A_412 : vector<16xf32>
      %mul3A_417 = arith.mulf %mul3A_416, %mul3A_412 : vector<16xf32>
      %sub3A_418 = arith.constant 1.500000e+00 : f32
      %sub3A_419 = vector.broadcast %sub3A_418 : f32 to vector<16xf32>
      %sub3A_420 = arith.subf %sub3A_419, %mul3A_417 : vector<16xf32>
      %mul3A_421 = arith.mulf %mul3A_412, %sub3A_420 : vector<16xf32>
      %mul3A_422 = arith.constant 5.000000e-01 : f32
      %mul3A_423 = vector.broadcast %mul3A_422 : f32 to vector<16xf32>
      %mul3A_424 = arith.mulf %mul3A_423, %max3A_395 : vector<16xf32>
      %mul3A_425 = arith.mulf %mul3A_424, %mul3A_421 : vector<16xf32>
      %mul3A_426 = arith.mulf %mul3A_425, %mul3A_421 : vector<16xf32>
      %sub3A_427 = arith.constant 1.500000e+00 : f32
      %sub3A_428 = vector.broadcast %sub3A_427 : f32 to vector<16xf32>
      %sub3A_429 = arith.subf %sub3A_428, %mul3A_426 : vector<16xf32>
      %mul3A_430 = arith.mulf %mul3A_421, %sub3A_429 : vector<16xf32>
      %mul3A_431 = arith.mulf %add3A_392, %mul3A_430 : vector<16xf32>
      %mul3A_432 = arith.constant -1.000000e+01 : f32
      %mul3A_433 = vector.broadcast %mul3A_432 : f32 to vector<16xf32>
      %mul3A_434 = arith.mulf %mul3A_433, %mul3A_431 : vector<16xf32>
      %exp3A_435 = math.exp %mul3A_434 : vector<16xf32>
      %add3A_436 = arith.constant 3 : i32
      %add3A_437 = vector.broadcast %add3A_436 : i32 to vector<16xi32>
      %add3A_438 = arith.addi %add3A_63, %add3A_437 : vector<16xi32>
      tpu.vector_store_idx %arg13[%add3A_438], %exp3A_435 : memref<2048xf32, #tpu.memory_space<vmem>>[vector<16xi32>], vector<16xf32>,
      %add3A_439 = arith.constant 32 : i32
      %add3A_440 = vector.broadcast %add3A_439 : i32 to vector<16xi32>
      %add3A_441 = arith.addi %broadcast_in_dim3A_12, %add3A_440 : vector<16xi32>
      %gather3A_442 = tpu.vector_load_idx %arg12[%add3A_441] : memref<96xf32, #tpu.memory_space<vmem>>[vector<16xi32>], vector<16xf32>,
      %add3A_443 = arith.constant 33 : i32
      %add3A_444 = vector.broadcast %add3A_443 : i32 to vector<16xi32>
      %add3A_445 = arith.addi %broadcast_in_dim3A_12, %add3A_444 : vector<16xi32>
      %gather3A_446 = tpu.vector_load_idx %arg12[%add3A_445] : memref<96xf32, #tpu.memory_space<vmem>>[vector<16xi32>], vector<16xf32>,
      %add3A_447 = arith.constant 34 : i32
      %add3A_448 = vector.broadcast %add3A_447 : i32 to vector<16xi32>
      %add3A_449 = arith.addi %broadcast_in_dim3A_12, %add3A_448 : vector<16xi32>
      %gather3A_450 = tpu.vector_load_idx %arg12[%add3A_449] : memref<96xf32, #tpu.memory_space<vmem>>[vector<16xi32>], vector<16xf32>,
      %add3A_451 = arith.constant 35 : i32
      %add3A_452 = vector.broadcast %add3A_451 : i32 to vector<16xi32>
      %add3A_453 = arith.addi %broadcast_in_dim3A_12, %add3A_452 : vector<16xi32>
      %gather3A_454 = tpu.vector_load_idx %arg12[%add3A_453] : memref<96xf32, #tpu.memory_space<vmem>>[vector<16xi32>], vector<16xf32>,
      %add3A_455 = arith.constant 36 : i32
      %add3A_456 = vector.broadcast %add3A_455 : i32 to vector<16xi32>
      %add3A_457 = arith.addi %broadcast_in_dim3A_12, %add3A_456 : vector<16xi32>
      %gather3A_458 = tpu.vector_load_idx %arg12[%add3A_457] : memref<96xf32, #tpu.memory_space<vmem>>[vector<16xi32>], vector<16xf32>,
      %add3A_459 = arith.constant 37 : i32
      %add3A_460 = vector.broadcast %add3A_459 : i32 to vector<16xi32>
      %add3A_461 = arith.addi %broadcast_in_dim3A_12, %add3A_460 : vector<16xi32>
      %gather3A_462 = tpu.vector_load_idx %arg12[%add3A_461] : memref<96xf32, #tpu.memory_space<vmem>>[vector<16xi32>], vector<16xf32>,
      %add3A_463 = arith.constant 38 : i32
      %add3A_464 = vector.broadcast %add3A_463 : i32 to vector<16xi32>
      %add3A_465 = arith.addi %broadcast_in_dim3A_12, %add3A_464 : vector<16xi32>
      %gather3A_466 = tpu.vector_load_idx %arg12[%add3A_465] : memref<96xf32, #tpu.memory_space<vmem>>[vector<16xi32>], vector<16xf32>,
      %add3A_467 = arith.constant 39 : i32
      %add3A_468 = vector.broadcast %add3A_467 : i32 to vector<16xi32>
      %add3A_469 = arith.addi %broadcast_in_dim3A_12, %add3A_468 : vector<16xi32>
      %gather3A_470 = tpu.vector_load_idx %arg12[%add3A_469] : memref<96xf32, #tpu.memory_space<vmem>>[vector<16xi32>], vector<16xf32>,
      %mul3A_471 = arith.mulf %mul3A_56, %gather3A_442 : vector<16xf32>
      %mul3A_472 = arith.mulf %mul3A_57, %gather3A_446 : vector<16xf32>
      %add3A_473 = arith.addf %mul3A_471, %mul3A_472 : vector<16xf32>
      %mul3A_474 = arith.mulf %mul3A_58, %gather3A_450 : vector<16xf32>
      %add3A_475 = arith.addf %add3A_473, %mul3A_474 : vector<16xf32>
      %mul3A_476 = arith.mulf %mul3A_59, %gather3A_454 : vector<16xf32>
      %add3A_477 = arith.addf %add3A_475, %mul3A_476 : vector<16xf32>
      %mul3A_478 = arith.mulf %mul3A_56, %gather3A_458 : vector<16xf32>
      %mul3A_479 = arith.mulf %mul3A_57, %gather3A_462 : vector<16xf32>
      %add3A_480 = arith.addf %mul3A_478, %mul3A_479 : vector<16xf32>
      %mul3A_481 = arith.mulf %mul3A_58, %gather3A_466 : vector<16xf32>
      %add3A_482 = arith.addf %add3A_480, %mul3A_481 : vector<16xf32>
      %mul3A_483 = arith.mulf %mul3A_59, %gather3A_470 : vector<16xf32>
      %add3A_484 = arith.addf %add3A_482, %mul3A_483 : vector<16xf32>
      %mul3A_485 = arith.mulf %add3A_477, %add3A_477 : vector<16xf32>
      %mul3A_486 = arith.mulf %add3A_484, %add3A_484 : vector<16xf32>
      %add3A_487 = arith.addf %mul3A_485, %mul3A_486 : vector<16xf32>
      %max3A_488 = arith.constant 1.000000e-30 : f32
      %max3A_489 = vector.broadcast %max3A_488 : f32 to vector<16xf32>
      %max3A_490 = arith.maximumf %add3A_487, %max3A_489 : vector<16xf32>
      %bitcast3A_491 = vector.bitcast %max3A_490 : vector<16xf32> to vector<16xi32>
      %shift_right_logical3A_492 = arith.constant 1 : i32
      %shift_right_logical3A_493 = vector.broadcast %shift_right_logical3A_492 : i32 to vector<16xi32>
      %shift_right_logical3A_494 = arith.shrui %bitcast3A_491, %shift_right_logical3A_493 : vector<16xi32>
      %sub3A_495 = arith.constant 1597463007 : i32
      %sub3A_496 = vector.broadcast %sub3A_495 : i32 to vector<16xi32>
      %sub3A_497 = arith.subi %sub3A_496, %shift_right_logical3A_494 : vector<16xi32>
      %bitcast3A_498 = vector.bitcast %sub3A_497 : vector<16xi32> to vector<16xf32>
      %mul3A_499 = arith.constant 5.000000e-01 : f32
      %mul3A_500 = vector.broadcast %mul3A_499 : f32 to vector<16xf32>
      %mul3A_501 = arith.mulf %mul3A_500, %max3A_490 : vector<16xf32>
      %mul3A_502 = arith.mulf %mul3A_501, %bitcast3A_498 : vector<16xf32>
      %mul3A_503 = arith.mulf %mul3A_502, %bitcast3A_498 : vector<16xf32>
      %sub3A_504 = arith.constant 1.500000e+00 : f32
      %sub3A_505 = vector.broadcast %sub3A_504 : f32 to vector<16xf32>
      %sub3A_506 = arith.subf %sub3A_505, %mul3A_503 : vector<16xf32>
      %mul3A_507 = arith.mulf %bitcast3A_498, %sub3A_506 : vector<16xf32>
      %mul3A_508 = arith.constant 5.000000e-01 : f32
      %mul3A_509 = vector.broadcast %mul3A_508 : f32 to vector<16xf32>
      %mul3A_510 = arith.mulf %mul3A_509, %max3A_490 : vector<16xf32>
      %mul3A_511 = arith.mulf %mul3A_510, %mul3A_507 : vector<16xf32>
      %mul3A_512 = arith.mulf %mul3A_511, %mul3A_507 : vector<16xf32>
      %sub3A_513 = arith.constant 1.500000e+00 : f32
      %sub3A_514 = vector.broadcast %sub3A_513 : f32 to vector<16xf32>
      %sub3A_515 = arith.subf %sub3A_514, %mul3A_512 : vector<16xf32>
      %mul3A_516 = arith.mulf %mul3A_507, %sub3A_515 : vector<16xf32>
      %mul3A_517 = arith.constant 5.000000e-01 : f32
      %mul3A_518 = vector.broadcast %mul3A_517 : f32 to vector<16xf32>
      %mul3A_519 = arith.mulf %mul3A_518, %max3A_490 : vector<16xf32>
      %mul3A_520 = arith.mulf %mul3A_519, %mul3A_516 : vector<16xf32>
      %mul3A_521 = arith.mulf %mul3A_520, %mul3A_516 : vector<16xf32>
      %sub3A_522 = arith.constant 1.500000e+00 : f32
      %sub3A_523 = vector.broadcast %sub3A_522 : f32 to vector<16xf32>
      %sub3A_524 = arith.subf %sub3A_523, %mul3A_521 : vector<16xf32>
      %mul3A_525 = arith.mulf %mul3A_516, %sub3A_524 : vector<16xf32>
      %mul3A_526 = arith.mulf %add3A_487, %mul3A_525 : vector<16xf32>
      %mul3A_527 = arith.constant -1.000000e+01 : f32
      %mul3A_528 = vector.broadcast %mul3A_527 : f32 to vector<16xf32>
      %mul3A_529 = arith.mulf %mul3A_528, %mul3A_526 : vector<16xf32>
      %exp3A_530 = math.exp %mul3A_529 : vector<16xf32>
      %add3A_531 = arith.constant 6 : i32
      %add3A_532 = vector.broadcast %add3A_531 : i32 to vector<16xi32>
      %add3A_533 = arith.addi %add3A_63, %add3A_532 : vector<16xi32>
      tpu.vector_store_idx %arg13[%add3A_533], %exp3A_530 : memref<2048xf32, #tpu.memory_space<vmem>>[vector<16xi32>], vector<16xf32>,
      %add3A_534 = arith.constant 40 : i32
      %add3A_535 = vector.broadcast %add3A_534 : i32 to vector<16xi32>
      %add3A_536 = arith.addi %broadcast_in_dim3A_12, %add3A_535 : vector<16xi32>
      %gather3A_537 = tpu.vector_load_idx %arg12[%add3A_536] : memref<96xf32, #tpu.memory_space<vmem>>[vector<16xi32>], vector<16xf32>,
      %add3A_538 = arith.constant 41 : i32
      %add3A_539 = vector.broadcast %add3A_538 : i32 to vector<16xi32>
      %add3A_540 = arith.addi %broadcast_in_dim3A_12, %add3A_539 : vector<16xi32>
      %gather3A_541 = tpu.vector_load_idx %arg12[%add3A_540] : memref<96xf32, #tpu.memory_space<vmem>>[vector<16xi32>], vector<16xf32>,
      %add3A_542 = arith.constant 42 : i32
      %add3A_543 = vector.broadcast %add3A_542 : i32 to vector<16xi32>
      %add3A_544 = arith.addi %broadcast_in_dim3A_12, %add3A_543 : vector<16xi32>
      %gather3A_545 = tpu.vector_load_idx %arg12[%add3A_544] : memref<96xf32, #tpu.memory_space<vmem>>[vector<16xi32>], vector<16xf32>,
      %add3A_546 = arith.constant 43 : i32
      %add3A_547 = vector.broadcast %add3A_546 : i32 to vector<16xi32>
      %add3A_548 = arith.addi %broadcast_in_dim3A_12, %add3A_547 : vector<16xi32>
      %gather3A_549 = tpu.vector_load_idx %arg12[%add3A_548] : memref<96xf32, #tpu.memory_space<vmem>>[vector<16xi32>], vector<16xf32>,
      %add3A_550 = arith.constant 44 : i32
      %add3A_551 = vector.broadcast %add3A_550 : i32 to vector<16xi32>
      %add3A_552 = arith.addi %broadcast_in_dim3A_12, %add3A_551 : vector<16xi32>
      %gather3A_553 = tpu.vector_load_idx %arg12[%add3A_552] : memref<96xf32, #tpu.memory_space<vmem>>[vector<16xi32>], vector<16xf32>,
      %add3A_554 = arith.constant 45 : i32
      %add3A_555 = vector.broadcast %add3A_554 : i32 to vector<16xi32>
      %add3A_556 = arith.addi %broadcast_in_dim3A_12, %add3A_555 : vector<16xi32>
      %gather3A_557 = tpu.vector_load_idx %arg12[%add3A_556] : memref<96xf32, #tpu.memory_space<vmem>>[vector<16xi32>], vector<16xf32>,
      %add3A_558 = arith.constant 46 : i32
      %add3A_559 = vector.broadcast %add3A_558 : i32 to vector<16xi32>
      %add3A_560 = arith.addi %broadcast_in_dim3A_12, %add3A_559 : vector<16xi32>
      %gather3A_561 = tpu.vector_load_idx %arg12[%add3A_560] : memref<96xf32, #tpu.memory_space<vmem>>[vector<16xi32>], vector<16xf32>,
      %add3A_562 = arith.constant 47 : i32
      %add3A_563 = vector.broadcast %add3A_562 : i32 to vector<16xi32>
      %add3A_564 = arith.addi %broadcast_in_dim3A_12, %add3A_563 : vector<16xi32>
      %gather3A_565 = tpu.vector_load_idx %arg12[%add3A_564] : memref<96xf32, #tpu.memory_space<vmem>>[vector<16xi32>], vector<16xf32>,
      %mul3A_566 = arith.mulf %mul3A_56, %gather3A_537 : vector<16xf32>
      %mul3A_567 = arith.mulf %mul3A_57, %gather3A_541 : vector<16xf32>
      %add3A_568 = arith.addf %mul3A_566, %mul3A_567 : vector<16xf32>
      %mul3A_569 = arith.mulf %mul3A_58, %gather3A_545 : vector<16xf32>
      %add3A_570 = arith.addf %add3A_568, %mul3A_569 : vector<16xf32>
      %mul3A_571 = arith.mulf %mul3A_59, %gather3A_549 : vector<16xf32>
      %add3A_572 = arith.addf %add3A_570, %mul3A_571 : vector<16xf32>
      %mul3A_573 = arith.mulf %mul3A_56, %gather3A_553 : vector<16xf32>
      %mul3A_574 = arith.mulf %mul3A_57, %gather3A_557 : vector<16xf32>
      %add3A_575 = arith.addf %mul3A_573, %mul3A_574 : vector<16xf32>
      %mul3A_576 = arith.mulf %mul3A_58, %gather3A_561 : vector<16xf32>
      %add3A_577 = arith.addf %add3A_575, %mul3A_576 : vector<16xf32>
      %mul3A_578 = arith.mulf %mul3A_59, %gather3A_565 : vector<16xf32>
      %add3A_579 = arith.addf %add3A_577, %mul3A_578 : vector<16xf32>
      %mul3A_580 = arith.mulf %add3A_572, %add3A_572 : vector<16xf32>
      %mul3A_581 = arith.mulf %add3A_579, %add3A_579 : vector<16xf32>
      %add3A_582 = arith.addf %mul3A_580, %mul3A_581 : vector<16xf32>
      %max3A_583 = arith.constant 1.000000e-30 : f32
      %max3A_584 = vector.broadcast %max3A_583 : f32 to vector<16xf32>
      %max3A_585 = arith.maximumf %add3A_582, %max3A_584 : vector<16xf32>
      %bitcast3A_586 = vector.bitcast %max3A_585 : vector<16xf32> to vector<16xi32>
      %shift_right_logical3A_587 = arith.constant 1 : i32
      %shift_right_logical3A_588 = vector.broadcast %shift_right_logical3A_587 : i32 to vector<16xi32>
      %shift_right_logical3A_589 = arith.shrui %bitcast3A_586, %shift_right_logical3A_588 : vector<16xi32>
      %sub3A_590 = arith.constant 1597463007 : i32
      %sub3A_591 = vector.broadcast %sub3A_590 : i32 to vector<16xi32>
      %sub3A_592 = arith.subi %sub3A_591, %shift_right_logical3A_589 : vector<16xi32>
      %bitcast3A_593 = vector.bitcast %sub3A_592 : vector<16xi32> to vector<16xf32>
      %mul3A_594 = arith.constant 5.000000e-01 : f32
      %mul3A_595 = vector.broadcast %mul3A_594 : f32 to vector<16xf32>
      %mul3A_596 = arith.mulf %mul3A_595, %max3A_585 : vector<16xf32>
      %mul3A_597 = arith.mulf %mul3A_596, %bitcast3A_593 : vector<16xf32>
      %mul3A_598 = arith.mulf %mul3A_597, %bitcast3A_593 : vector<16xf32>
      %sub3A_599 = arith.constant 1.500000e+00 : f32
      %sub3A_600 = vector.broadcast %sub3A_599 : f32 to vector<16xf32>
      %sub3A_601 = arith.subf %sub3A_600, %mul3A_598 : vector<16xf32>
      %mul3A_602 = arith.mulf %bitcast3A_593, %sub3A_601 : vector<16xf32>
      %mul3A_603 = arith.constant 5.000000e-01 : f32
      %mul3A_604 = vector.broadcast %mul3A_603 : f32 to vector<16xf32>
      %mul3A_605 = arith.mulf %mul3A_604, %max3A_585 : vector<16xf32>
      %mul3A_606 = arith.mulf %mul3A_605, %mul3A_602 : vector<16xf32>
      %mul3A_607 = arith.mulf %mul3A_606, %mul3A_602 : vector<16xf32>
      %sub3A_608 = arith.constant 1.500000e+00 : f32
      %sub3A_609 = vector.broadcast %sub3A_608 : f32 to vector<16xf32>
      %sub3A_610 = arith.subf %sub3A_609, %mul3A_607 : vector<16xf32>
      %mul3A_611 = arith.mulf %mul3A_602, %sub3A_610 : vector<16xf32>
      %mul3A_612 = arith.constant 5.000000e-01 : f32
      %mul3A_613 = vector.broadcast %mul3A_612 : f32 to vector<16xf32>
      %mul3A_614 = arith.mulf %mul3A_613, %max3A_585 : vector<16xf32>
      %mul3A_615 = arith.mulf %mul3A_614, %mul3A_611 : vector<16xf32>
      %mul3A_616 = arith.mulf %mul3A_615, %mul3A_611 : vector<16xf32>
      %sub3A_617 = arith.constant 1.500000e+00 : f32
      %sub3A_618 = vector.broadcast %sub3A_617 : f32 to vector<16xf32>
      %sub3A_619 = arith.subf %sub3A_618, %mul3A_616 : vector<16xf32>
      %mul3A_620 = arith.mulf %mul3A_611, %sub3A_619 : vector<16xf32>
      %mul3A_621 = arith.mulf %add3A_582, %mul3A_620 : vector<16xf32>
      %mul3A_622 = arith.constant -1.000000e+01 : f32
      %mul3A_623 = vector.broadcast %mul3A_622 : f32 to vector<16xf32>
      %mul3A_624 = arith.mulf %mul3A_623, %mul3A_621 : vector<16xf32>
      %exp3A_625 = math.exp %mul3A_624 : vector<16xf32>
      %add3A_626 = arith.constant 7 : i32
      %add3A_627 = vector.broadcast %add3A_626 : i32 to vector<16xi32>
      %add3A_628 = arith.addi %add3A_63, %add3A_627 : vector<16xi32>
      tpu.vector_store_idx %arg13[%add3A_628], %exp3A_625 : memref<2048xf32, #tpu.memory_space<vmem>>[vector<16xi32>], vector<16xf32>,
      %add3A_629 = arith.constant 48 : i32
      %add3A_630 = vector.broadcast %add3A_629 : i32 to vector<16xi32>
      %add3A_631 = arith.addi %broadcast_in_dim3A_12, %add3A_630 : vector<16xi32>
      %gather3A_632 = tpu.vector_load_idx %arg12[%add3A_631] : memref<96xf32, #tpu.memory_space<vmem>>[vector<16xi32>], vector<16xf32>,
      %add3A_633 = arith.constant 49 : i32
      %add3A_634 = vector.broadcast %add3A_633 : i32 to vector<16xi32>
      %add3A_635 = arith.addi %broadcast_in_dim3A_12, %add3A_634 : vector<16xi32>
      %gather3A_636 = tpu.vector_load_idx %arg12[%add3A_635] : memref<96xf32, #tpu.memory_space<vmem>>[vector<16xi32>], vector<16xf32>,
      %add3A_637 = arith.constant 50 : i32
      %add3A_638 = vector.broadcast %add3A_637 : i32 to vector<16xi32>
      %add3A_639 = arith.addi %broadcast_in_dim3A_12, %add3A_638 : vector<16xi32>
      %gather3A_640 = tpu.vector_load_idx %arg12[%add3A_639] : memref<96xf32, #tpu.memory_space<vmem>>[vector<16xi32>], vector<16xf32>,
      %add3A_641 = arith.constant 51 : i32
      %add3A_642 = vector.broadcast %add3A_641 : i32 to vector<16xi32>
      %add3A_643 = arith.addi %broadcast_in_dim3A_12, %add3A_642 : vector<16xi32>
      %gather3A_644 = tpu.vector_load_idx %arg12[%add3A_643] : memref<96xf32, #tpu.memory_space<vmem>>[vector<16xi32>], vector<16xf32>,
      %add3A_645 = arith.constant 52 : i32
      %add3A_646 = vector.broadcast %add3A_645 : i32 to vector<16xi32>
      %add3A_647 = arith.addi %broadcast_in_dim3A_12, %add3A_646 : vector<16xi32>
      %gather3A_648 = tpu.vector_load_idx %arg12[%add3A_647] : memref<96xf32, #tpu.memory_space<vmem>>[vector<16xi32>], vector<16xf32>,
      %add3A_649 = arith.constant 53 : i32
      %add3A_650 = vector.broadcast %add3A_649 : i32 to vector<16xi32>
      %add3A_651 = arith.addi %broadcast_in_dim3A_12, %add3A_650 : vector<16xi32>
      %gather3A_652 = tpu.vector_load_idx %arg12[%add3A_651] : memref<96xf32, #tpu.memory_space<vmem>>[vector<16xi32>], vector<16xf32>,
      %add3A_653 = arith.constant 54 : i32
      %add3A_654 = vector.broadcast %add3A_653 : i32 to vector<16xi32>
      %add3A_655 = arith.addi %broadcast_in_dim3A_12, %add3A_654 : vector<16xi32>
      %gather3A_656 = tpu.vector_load_idx %arg12[%add3A_655] : memref<96xf32, #tpu.memory_space<vmem>>[vector<16xi32>], vector<16xf32>,
      %add3A_657 = arith.constant 55 : i32
      %add3A_658 = vector.broadcast %add3A_657 : i32 to vector<16xi32>
      %add3A_659 = arith.addi %broadcast_in_dim3A_12, %add3A_658 : vector<16xi32>
      %gather3A_660 = tpu.vector_load_idx %arg12[%add3A_659] : memref<96xf32, #tpu.memory_space<vmem>>[vector<16xi32>], vector<16xf32>,
      %mul3A_661 = arith.mulf %mul3A_56, %gather3A_632 : vector<16xf32>
      %mul3A_662 = arith.mulf %mul3A_57, %gather3A_636 : vector<16xf32>
      %add3A_663 = arith.addf %mul3A_661, %mul3A_662 : vector<16xf32>
      %mul3A_664 = arith.mulf %mul3A_58, %gather3A_640 : vector<16xf32>
      %add3A_665 = arith.addf %add3A_663, %mul3A_664 : vector<16xf32>
      %mul3A_666 = arith.mulf %mul3A_59, %gather3A_644 : vector<16xf32>
      %add3A_667 = arith.addf %add3A_665, %mul3A_666 : vector<16xf32>
      %mul3A_668 = arith.mulf %mul3A_56, %gather3A_648 : vector<16xf32>
      %mul3A_669 = arith.mulf %mul3A_57, %gather3A_652 : vector<16xf32>
      %add3A_670 = arith.addf %mul3A_668, %mul3A_669 : vector<16xf32>
      %mul3A_671 = arith.mulf %mul3A_58, %gather3A_656 : vector<16xf32>
      %add3A_672 = arith.addf %add3A_670, %mul3A_671 : vector<16xf32>
      %mul3A_673 = arith.mulf %mul3A_59, %gather3A_660 : vector<16xf32>
      %add3A_674 = arith.addf %add3A_672, %mul3A_673 : vector<16xf32>
      %mul3A_675 = arith.mulf %add3A_667, %add3A_667 : vector<16xf32>
      %mul3A_676 = arith.mulf %add3A_674, %add3A_674 : vector<16xf32>
      %add3A_677 = arith.addf %mul3A_675, %mul3A_676 : vector<16xf32>
      %max3A_678 = arith.constant 1.000000e-30 : f32
      %max3A_679 = vector.broadcast %max3A_678 : f32 to vector<16xf32>
      %max3A_680 = arith.maximumf %add3A_677, %max3A_679 : vector<16xf32>
      %bitcast3A_681 = vector.bitcast %max3A_680 : vector<16xf32> to vector<16xi32>
      %shift_right_logical3A_682 = arith.constant 1 : i32
      %shift_right_logical3A_683 = vector.broadcast %shift_right_logical3A_682 : i32 to vector<16xi32>
      %shift_right_logical3A_684 = arith.shrui %bitcast3A_681, %shift_right_logical3A_683 : vector<16xi32>
      %sub3A_685 = arith.constant 1597463007 : i32
      %sub3A_686 = vector.broadcast %sub3A_685 : i32 to vector<16xi32>
      %sub3A_687 = arith.subi %sub3A_686, %shift_right_logical3A_684 : vector<16xi32>
      %bitcast3A_688 = vector.bitcast %sub3A_687 : vector<16xi32> to vector<16xf32>
      %mul3A_689 = arith.constant 5.000000e-01 : f32
      %mul3A_690 = vector.broadcast %mul3A_689 : f32 to vector<16xf32>
      %mul3A_691 = arith.mulf %mul3A_690, %max3A_680 : vector<16xf32>
      %mul3A_692 = arith.mulf %mul3A_691, %bitcast3A_688 : vector<16xf32>
      %mul3A_693 = arith.mulf %mul3A_692, %bitcast3A_688 : vector<16xf32>
      %sub3A_694 = arith.constant 1.500000e+00 : f32
      %sub3A_695 = vector.broadcast %sub3A_694 : f32 to vector<16xf32>
      %sub3A_696 = arith.subf %sub3A_695, %mul3A_693 : vector<16xf32>
      %mul3A_697 = arith.mulf %bitcast3A_688, %sub3A_696 : vector<16xf32>
      %mul3A_698 = arith.constant 5.000000e-01 : f32
      %mul3A_699 = vector.broadcast %mul3A_698 : f32 to vector<16xf32>
      %mul3A_700 = arith.mulf %mul3A_699, %max3A_680 : vector<16xf32>
      %mul3A_701 = arith.mulf %mul3A_700, %mul3A_697 : vector<16xf32>
      %mul3A_702 = arith.mulf %mul3A_701, %mul3A_697 : vector<16xf32>
      %sub3A_703 = arith.constant 1.500000e+00 : f32
      %sub3A_704 = vector.broadcast %sub3A_703 : f32 to vector<16xf32>
      %sub3A_705 = arith.subf %sub3A_704, %mul3A_702 : vector<16xf32>
      %mul3A_706 = arith.mulf %mul3A_697, %sub3A_705 : vector<16xf32>
      %mul3A_707 = arith.constant 5.000000e-01 : f32
      %mul3A_708 = vector.broadcast %mul3A_707 : f32 to vector<16xf32>
      %mul3A_709 = arith.mulf %mul3A_708, %max3A_680 : vector<16xf32>
      %mul3A_710 = arith.mulf %mul3A_709, %mul3A_706 : vector<16xf32>
      %mul3A_711 = arith.mulf %mul3A_710, %mul3A_706 : vector<16xf32>
      %sub3A_712 = arith.constant 1.500000e+00 : f32
      %sub3A_713 = vector.broadcast %sub3A_712 : f32 to vector<16xf32>
      %sub3A_714 = arith.subf %sub3A_713, %mul3A_711 : vector<16xf32>
      %mul3A_715 = arith.mulf %mul3A_706, %sub3A_714 : vector<16xf32>
      %mul3A_716 = arith.mulf %add3A_677, %mul3A_715 : vector<16xf32>
      %mul3A_717 = arith.constant -1.000000e+01 : f32
      %mul3A_718 = vector.broadcast %mul3A_717 : f32 to vector<16xf32>
      %mul3A_719 = arith.mulf %mul3A_718, %mul3A_716 : vector<16xf32>
      %exp3A_720 = math.exp %mul3A_719 : vector<16xf32>
      %add3A_721 = arith.constant 9 : i32
      %add3A_722 = vector.broadcast %add3A_721 : i32 to vector<16xi32>
      %add3A_723 = arith.addi %add3A_63, %add3A_722 : vector<16xi32>
      tpu.vector_store_idx %arg13[%add3A_723], %exp3A_720 : memref<2048xf32, #tpu.memory_space<vmem>>[vector<16xi32>], vector<16xf32>,
      %add3A_724 = arith.constant 56 : i32
      %add3A_725 = vector.broadcast %add3A_724 : i32 to vector<16xi32>
      %add3A_726 = arith.addi %broadcast_in_dim3A_12, %add3A_725 : vector<16xi32>
      %gather3A_727 = tpu.vector_load_idx %arg12[%add3A_726] : memref<96xf32, #tpu.memory_space<vmem>>[vector<16xi32>], vector<16xf32>,
      %add3A_728 = arith.constant 57 : i32
      %add3A_729 = vector.broadcast %add3A_728 : i32 to vector<16xi32>
      %add3A_730 = arith.addi %broadcast_in_dim3A_12, %add3A_729 : vector<16xi32>
      %gather3A_731 = tpu.vector_load_idx %arg12[%add3A_730] : memref<96xf32, #tpu.memory_space<vmem>>[vector<16xi32>], vector<16xf32>,
      %add3A_732 = arith.constant 58 : i32
      %add3A_733 = vector.broadcast %add3A_732 : i32 to vector<16xi32>
      %add3A_734 = arith.addi %broadcast_in_dim3A_12, %add3A_733 : vector<16xi32>
      %gather3A_735 = tpu.vector_load_idx %arg12[%add3A_734] : memref<96xf32, #tpu.memory_space<vmem>>[vector<16xi32>], vector<16xf32>,
      %add3A_736 = arith.constant 59 : i32
      %add3A_737 = vector.broadcast %add3A_736 : i32 to vector<16xi32>
      %add3A_738 = arith.addi %broadcast_in_dim3A_12, %add3A_737 : vector<16xi32>
      %gather3A_739 = tpu.vector_load_idx %arg12[%add3A_738] : memref<96xf32, #tpu.memory_space<vmem>>[vector<16xi32>], vector<16xf32>,
      %add3A_740 = arith.constant 60 : i32
      %add3A_741 = vector.broadcast %add3A_740 : i32 to vector<16xi32>
      %add3A_742 = arith.addi %broadcast_in_dim3A_12, %add3A_741 : vector<16xi32>
      %gather3A_743 = tpu.vector_load_idx %arg12[%add3A_742] : memref<96xf32, #tpu.memory_space<vmem>>[vector<16xi32>], vector<16xf32>,
      %add3A_744 = arith.constant 61 : i32
      %add3A_745 = vector.broadcast %add3A_744 : i32 to vector<16xi32>
      %add3A_746 = arith.addi %broadcast_in_dim3A_12, %add3A_745 : vector<16xi32>
      %gather3A_747 = tpu.vector_load_idx %arg12[%add3A_746] : memref<96xf32, #tpu.memory_space<vmem>>[vector<16xi32>], vector<16xf32>,
      %add3A_748 = arith.constant 62 : i32
      %add3A_749 = vector.broadcast %add3A_748 : i32 to vector<16xi32>
      %add3A_750 = arith.addi %broadcast_in_dim3A_12, %add3A_749 : vector<16xi32>
      %gather3A_751 = tpu.vector_load_idx %arg12[%add3A_750] : memref<96xf32, #tpu.memory_space<vmem>>[vector<16xi32>], vector<16xf32>,
      %add3A_752 = arith.constant 63 : i32
      %add3A_753 = vector.broadcast %add3A_752 : i32 to vector<16xi32>
      %add3A_754 = arith.addi %broadcast_in_dim3A_12, %add3A_753 : vector<16xi32>
      %gather3A_755 = tpu.vector_load_idx %arg12[%add3A_754] : memref<96xf32, #tpu.memory_space<vmem>>[vector<16xi32>], vector<16xf32>,
      %mul3A_756 = arith.mulf %mul3A_56, %gather3A_727 : vector<16xf32>
      %mul3A_757 = arith.mulf %mul3A_57, %gather3A_731 : vector<16xf32>
      %add3A_758 = arith.addf %mul3A_756, %mul3A_757 : vector<16xf32>
      %mul3A_759 = arith.mulf %mul3A_58, %gather3A_735 : vector<16xf32>
      %add3A_760 = arith.addf %add3A_758, %mul3A_759 : vector<16xf32>
      %mul3A_761 = arith.mulf %mul3A_59, %gather3A_739 : vector<16xf32>
      %add3A_762 = arith.addf %add3A_760, %mul3A_761 : vector<16xf32>
      %mul3A_763 = arith.mulf %mul3A_56, %gather3A_743 : vector<16xf32>
      %mul3A_764 = arith.mulf %mul3A_57, %gather3A_747 : vector<16xf32>
      %add3A_765 = arith.addf %mul3A_763, %mul3A_764 : vector<16xf32>
      %mul3A_766 = arith.mulf %mul3A_58, %gather3A_751 : vector<16xf32>
      %add3A_767 = arith.addf %add3A_765, %mul3A_766 : vector<16xf32>
      %mul3A_768 = arith.mulf %mul3A_59, %gather3A_755 : vector<16xf32>
      %add3A_769 = arith.addf %add3A_767, %mul3A_768 : vector<16xf32>
      %mul3A_770 = arith.mulf %add3A_762, %add3A_762 : vector<16xf32>
      %mul3A_771 = arith.mulf %add3A_769, %add3A_769 : vector<16xf32>
      %add3A_772 = arith.addf %mul3A_770, %mul3A_771 : vector<16xf32>
      %max3A_773 = arith.constant 1.000000e-30 : f32
      %max3A_774 = vector.broadcast %max3A_773 : f32 to vector<16xf32>
      %max3A_775 = arith.maximumf %add3A_772, %max3A_774 : vector<16xf32>
      %bitcast3A_776 = vector.bitcast %max3A_775 : vector<16xf32> to vector<16xi32>
      %shift_right_logical3A_777 = arith.constant 1 : i32
      %shift_right_logical3A_778 = vector.broadcast %shift_right_logical3A_777 : i32 to vector<16xi32>
      %shift_right_logical3A_779 = arith.shrui %bitcast3A_776, %shift_right_logical3A_778 : vector<16xi32>
      %sub3A_780 = arith.constant 1597463007 : i32
      %sub3A_781 = vector.broadcast %sub3A_780 : i32 to vector<16xi32>
      %sub3A_782 = arith.subi %sub3A_781, %shift_right_logical3A_779 : vector<16xi32>
      %bitcast3A_783 = vector.bitcast %sub3A_782 : vector<16xi32> to vector<16xf32>
      %mul3A_784 = arith.constant 5.000000e-01 : f32
      %mul3A_785 = vector.broadcast %mul3A_784 : f32 to vector<16xf32>
      %mul3A_786 = arith.mulf %mul3A_785, %max3A_775 : vector<16xf32>
      %mul3A_787 = arith.mulf %mul3A_786, %bitcast3A_783 : vector<16xf32>
      %mul3A_788 = arith.mulf %mul3A_787, %bitcast3A_783 : vector<16xf32>
      %sub3A_789 = arith.constant 1.500000e+00 : f32
      %sub3A_790 = vector.broadcast %sub3A_789 : f32 to vector<16xf32>
      %sub3A_791 = arith.subf %sub3A_790, %mul3A_788 : vector<16xf32>
      %mul3A_792 = arith.mulf %bitcast3A_783, %sub3A_791 : vector<16xf32>
      %mul3A_793 = arith.constant 5.000000e-01 : f32
      %mul3A_794 = vector.broadcast %mul3A_793 : f32 to vector<16xf32>
      %mul3A_795 = arith.mulf %mul3A_794, %max3A_775 : vector<16xf32>
      %mul3A_796 = arith.mulf %mul3A_795, %mul3A_792 : vector<16xf32>
      %mul3A_797 = arith.mulf %mul3A_796, %mul3A_792 : vector<16xf32>
      %sub3A_798 = arith.constant 1.500000e+00 : f32
      %sub3A_799 = vector.broadcast %sub3A_798 : f32 to vector<16xf32>
      %sub3A_800 = arith.subf %sub3A_799, %mul3A_797 : vector<16xf32>
      %mul3A_801 = arith.mulf %mul3A_792, %sub3A_800 : vector<16xf32>
      %mul3A_802 = arith.constant 5.000000e-01 : f32
      %mul3A_803 = vector.broadcast %mul3A_802 : f32 to vector<16xf32>
      %mul3A_804 = arith.mulf %mul3A_803, %max3A_775 : vector<16xf32>
      %mul3A_805 = arith.mulf %mul3A_804, %mul3A_801 : vector<16xf32>
      %mul3A_806 = arith.mulf %mul3A_805, %mul3A_801 : vector<16xf32>
      %sub3A_807 = arith.constant 1.500000e+00 : f32
      %sub3A_808 = vector.broadcast %sub3A_807 : f32 to vector<16xf32>
      %sub3A_809 = arith.subf %sub3A_808, %mul3A_806 : vector<16xf32>
      %mul3A_810 = arith.mulf %mul3A_801, %sub3A_809 : vector<16xf32>
      %mul3A_811 = arith.mulf %add3A_772, %mul3A_810 : vector<16xf32>
      %mul3A_812 = arith.constant -1.000000e+01 : f32
      %mul3A_813 = vector.broadcast %mul3A_812 : f32 to vector<16xf32>
      %mul3A_814 = arith.mulf %mul3A_813, %mul3A_811 : vector<16xf32>
      %exp3A_815 = math.exp %mul3A_814 : vector<16xf32>
      %add3A_816 = arith.constant 11 : i32
      %add3A_817 = vector.broadcast %add3A_816 : i32 to vector<16xi32>
      %add3A_818 = arith.addi %add3A_63, %add3A_817 : vector<16xi32>
      tpu.vector_store_idx %arg13[%add3A_818], %exp3A_815 : memref<2048xf32, #tpu.memory_space<vmem>>[vector<16xi32>], vector<16xf32>,
      %add3A_819 = arith.constant 64 : i32
      %add3A_820 = vector.broadcast %add3A_819 : i32 to vector<16xi32>
      %add3A_821 = arith.addi %broadcast_in_dim3A_12, %add3A_820 : vector<16xi32>
      %gather3A_822 = tpu.vector_load_idx %arg12[%add3A_821] : memref<96xf32, #tpu.memory_space<vmem>>[vector<16xi32>], vector<16xf32>,
      %add3A_823 = arith.constant 65 : i32
      %add3A_824 = vector.broadcast %add3A_823 : i32 to vector<16xi32>
      %add3A_825 = arith.addi %broadcast_in_dim3A_12, %add3A_824 : vector<16xi32>
      %gather3A_826 = tpu.vector_load_idx %arg12[%add3A_825] : memref<96xf32, #tpu.memory_space<vmem>>[vector<16xi32>], vector<16xf32>,
      %add3A_827 = arith.constant 66 : i32
      %add3A_828 = vector.broadcast %add3A_827 : i32 to vector<16xi32>
      %add3A_829 = arith.addi %broadcast_in_dim3A_12, %add3A_828 : vector<16xi32>
      %gather3A_830 = tpu.vector_load_idx %arg12[%add3A_829] : memref<96xf32, #tpu.memory_space<vmem>>[vector<16xi32>], vector<16xf32>,
      %add3A_831 = arith.constant 67 : i32
      %add3A_832 = vector.broadcast %add3A_831 : i32 to vector<16xi32>
      %add3A_833 = arith.addi %broadcast_in_dim3A_12, %add3A_832 : vector<16xi32>
      %gather3A_834 = tpu.vector_load_idx %arg12[%add3A_833] : memref<96xf32, #tpu.memory_space<vmem>>[vector<16xi32>], vector<16xf32>,
      %add3A_835 = arith.constant 68 : i32
      %add3A_836 = vector.broadcast %add3A_835 : i32 to vector<16xi32>
      %add3A_837 = arith.addi %broadcast_in_dim3A_12, %add3A_836 : vector<16xi32>
      %gather3A_838 = tpu.vector_load_idx %arg12[%add3A_837] : memref<96xf32, #tpu.memory_space<vmem>>[vector<16xi32>], vector<16xf32>,
      %add3A_839 = arith.constant 69 : i32
      %add3A_840 = vector.broadcast %add3A_839 : i32 to vector<16xi32>
      %add3A_841 = arith.addi %broadcast_in_dim3A_12, %add3A_840 : vector<16xi32>
      %gather3A_842 = tpu.vector_load_idx %arg12[%add3A_841] : memref<96xf32, #tpu.memory_space<vmem>>[vector<16xi32>], vector<16xf32>,
      %add3A_843 = arith.constant 70 : i32
      %add3A_844 = vector.broadcast %add3A_843 : i32 to vector<16xi32>
      %add3A_845 = arith.addi %broadcast_in_dim3A_12, %add3A_844 : vector<16xi32>
      %gather3A_846 = tpu.vector_load_idx %arg12[%add3A_845] : memref<96xf32, #tpu.memory_space<vmem>>[vector<16xi32>], vector<16xf32>,
      %add3A_847 = arith.constant 71 : i32
      %add3A_848 = vector.broadcast %add3A_847 : i32 to vector<16xi32>
      %add3A_849 = arith.addi %broadcast_in_dim3A_12, %add3A_848 : vector<16xi32>
      %gather3A_850 = tpu.vector_load_idx %arg12[%add3A_849] : memref<96xf32, #tpu.memory_space<vmem>>[vector<16xi32>], vector<16xf32>,
      %mul3A_851 = arith.mulf %mul3A_56, %gather3A_822 : vector<16xf32>
      %mul3A_852 = arith.mulf %mul3A_57, %gather3A_826 : vector<16xf32>
      %add3A_853 = arith.addf %mul3A_851, %mul3A_852 : vector<16xf32>
      %mul3A_854 = arith.mulf %mul3A_58, %gather3A_830 : vector<16xf32>
      %add3A_855 = arith.addf %add3A_853, %mul3A_854 : vector<16xf32>
      %mul3A_856 = arith.mulf %mul3A_59, %gather3A_834 : vector<16xf32>
      %add3A_857 = arith.addf %add3A_855, %mul3A_856 : vector<16xf32>
      %mul3A_858 = arith.mulf %mul3A_56, %gather3A_838 : vector<16xf32>
      %mul3A_859 = arith.mulf %mul3A_57, %gather3A_842 : vector<16xf32>
      %add3A_860 = arith.addf %mul3A_858, %mul3A_859 : vector<16xf32>
      %mul3A_861 = arith.mulf %mul3A_58, %gather3A_846 : vector<16xf32>
      %add3A_862 = arith.addf %add3A_860, %mul3A_861 : vector<16xf32>
      %mul3A_863 = arith.mulf %mul3A_59, %gather3A_850 : vector<16xf32>
      %add3A_864 = arith.addf %add3A_862, %mul3A_863 : vector<16xf32>
      %mul3A_865 = arith.mulf %add3A_857, %add3A_857 : vector<16xf32>
      %mul3A_866 = arith.mulf %add3A_864, %add3A_864 : vector<16xf32>
      %add3A_867 = arith.addf %mul3A_865, %mul3A_866 : vector<16xf32>
      %max3A_868 = arith.constant 1.000000e-30 : f32
      %max3A_869 = vector.broadcast %max3A_868 : f32 to vector<16xf32>
      %max3A_870 = arith.maximumf %add3A_867, %max3A_869 : vector<16xf32>
      %bitcast3A_871 = vector.bitcast %max3A_870 : vector<16xf32> to vector<16xi32>
      %shift_right_logical3A_872 = arith.constant 1 : i32
      %shift_right_logical3A_873 = vector.broadcast %shift_right_logical3A_872 : i32 to vector<16xi32>
      %shift_right_logical3A_874 = arith.shrui %bitcast3A_871, %shift_right_logical3A_873 : vector<16xi32>
      %sub3A_875 = arith.constant 1597463007 : i32
      %sub3A_876 = vector.broadcast %sub3A_875 : i32 to vector<16xi32>
      %sub3A_877 = arith.subi %sub3A_876, %shift_right_logical3A_874 : vector<16xi32>
      %bitcast3A_878 = vector.bitcast %sub3A_877 : vector<16xi32> to vector<16xf32>
      %mul3A_879 = arith.constant 5.000000e-01 : f32
      %mul3A_880 = vector.broadcast %mul3A_879 : f32 to vector<16xf32>
      %mul3A_881 = arith.mulf %mul3A_880, %max3A_870 : vector<16xf32>
      %mul3A_882 = arith.mulf %mul3A_881, %bitcast3A_878 : vector<16xf32>
      %mul3A_883 = arith.mulf %mul3A_882, %bitcast3A_878 : vector<16xf32>
      %sub3A_884 = arith.constant 1.500000e+00 : f32
      %sub3A_885 = vector.broadcast %sub3A_884 : f32 to vector<16xf32>
      %sub3A_886 = arith.subf %sub3A_885, %mul3A_883 : vector<16xf32>
      %mul3A_887 = arith.mulf %bitcast3A_878, %sub3A_886 : vector<16xf32>
      %mul3A_888 = arith.constant 5.000000e-01 : f32
      %mul3A_889 = vector.broadcast %mul3A_888 : f32 to vector<16xf32>
      %mul3A_890 = arith.mulf %mul3A_889, %max3A_870 : vector<16xf32>
      %mul3A_891 = arith.mulf %mul3A_890, %mul3A_887 : vector<16xf32>
      %mul3A_892 = arith.mulf %mul3A_891, %mul3A_887 : vector<16xf32>
      %sub3A_893 = arith.constant 1.500000e+00 : f32
      %sub3A_894 = vector.broadcast %sub3A_893 : f32 to vector<16xf32>
      %sub3A_895 = arith.subf %sub3A_894, %mul3A_892 : vector<16xf32>
      %mul3A_896 = arith.mulf %mul3A_887, %sub3A_895 : vector<16xf32>
      %mul3A_897 = arith.constant 5.000000e-01 : f32
      %mul3A_898 = vector.broadcast %mul3A_897 : f32 to vector<16xf32>
      %mul3A_899 = arith.mulf %mul3A_898, %max3A_870 : vector<16xf32>
      %mul3A_900 = arith.mulf %mul3A_899, %mul3A_896 : vector<16xf32>
      %mul3A_901 = arith.mulf %mul3A_900, %mul3A_896 : vector<16xf32>
      %sub3A_902 = arith.constant 1.500000e+00 : f32
      %sub3A_903 = vector.broadcast %sub3A_902 : f32 to vector<16xf32>
      %sub3A_904 = arith.subf %sub3A_903, %mul3A_901 : vector<16xf32>
      %mul3A_905 = arith.mulf %mul3A_896, %sub3A_904 : vector<16xf32>
      %mul3A_906 = arith.mulf %add3A_867, %mul3A_905 : vector<16xf32>
      %mul3A_907 = arith.constant -1.000000e+01 : f32
      %mul3A_908 = vector.broadcast %mul3A_907 : f32 to vector<16xf32>
      %mul3A_909 = arith.mulf %mul3A_908, %mul3A_906 : vector<16xf32>
      %exp3A_910 = math.exp %mul3A_909 : vector<16xf32>
      %add3A_911 = arith.constant 13 : i32
      %add3A_912 = vector.broadcast %add3A_911 : i32 to vector<16xi32>
      %add3A_913 = arith.addi %add3A_63, %add3A_912 : vector<16xi32>
      tpu.vector_store_idx %arg13[%add3A_913], %exp3A_910 : memref<2048xf32, #tpu.memory_space<vmem>>[vector<16xi32>], vector<16xf32>,
      %add3A_914 = arith.constant 72 : i32
      %add3A_915 = vector.broadcast %add3A_914 : i32 to vector<16xi32>
      %add3A_916 = arith.addi %broadcast_in_dim3A_12, %add3A_915 : vector<16xi32>
      %gather3A_917 = tpu.vector_load_idx %arg12[%add3A_916] : memref<96xf32, #tpu.memory_space<vmem>>[vector<16xi32>], vector<16xf32>,
      %add3A_918 = arith.constant 73 : i32
      %add3A_919 = vector.broadcast %add3A_918 : i32 to vector<16xi32>
      %add3A_920 = arith.addi %broadcast_in_dim3A_12, %add3A_919 : vector<16xi32>
      %gather3A_921 = tpu.vector_load_idx %arg12[%add3A_920] : memref<96xf32, #tpu.memory_space<vmem>>[vector<16xi32>], vector<16xf32>,
      %add3A_922 = arith.constant 74 : i32
      %add3A_923 = vector.broadcast %add3A_922 : i32 to vector<16xi32>
      %add3A_924 = arith.addi %broadcast_in_dim3A_12, %add3A_923 : vector<16xi32>
      %gather3A_925 = tpu.vector_load_idx %arg12[%add3A_924] : memref<96xf32, #tpu.memory_space<vmem>>[vector<16xi32>], vector<16xf32>,
      %add3A_926 = arith.constant 75 : i32
      %add3A_927 = vector.broadcast %add3A_926 : i32 to vector<16xi32>
      %add3A_928 = arith.addi %broadcast_in_dim3A_12, %add3A_927 : vector<16xi32>
      %gather3A_929 = tpu.vector_load_idx %arg12[%add3A_928] : memref<96xf32, #tpu.memory_space<vmem>>[vector<16xi32>], vector<16xf32>,
      %add3A_930 = arith.constant 76 : i32
      %add3A_931 = vector.broadcast %add3A_930 : i32 to vector<16xi32>
      %add3A_932 = arith.addi %broadcast_in_dim3A_12, %add3A_931 : vector<16xi32>
      %gather3A_933 = tpu.vector_load_idx %arg12[%add3A_932] : memref<96xf32, #tpu.memory_space<vmem>>[vector<16xi32>], vector<16xf32>,
      %add3A_934 = arith.constant 77 : i32
      %add3A_935 = vector.broadcast %add3A_934 : i32 to vector<16xi32>
      %add3A_936 = arith.addi %broadcast_in_dim3A_12, %add3A_935 : vector<16xi32>
      %gather3A_937 = tpu.vector_load_idx %arg12[%add3A_936] : memref<96xf32, #tpu.memory_space<vmem>>[vector<16xi32>], vector<16xf32>,
      %add3A_938 = arith.constant 78 : i32
      %add3A_939 = vector.broadcast %add3A_938 : i32 to vector<16xi32>
      %add3A_940 = arith.addi %broadcast_in_dim3A_12, %add3A_939 : vector<16xi32>
      %gather3A_941 = tpu.vector_load_idx %arg12[%add3A_940] : memref<96xf32, #tpu.memory_space<vmem>>[vector<16xi32>], vector<16xf32>,
      %add3A_942 = arith.constant 79 : i32
      %add3A_943 = vector.broadcast %add3A_942 : i32 to vector<16xi32>
      %add3A_944 = arith.addi %broadcast_in_dim3A_12, %add3A_943 : vector<16xi32>
      %gather3A_945 = tpu.vector_load_idx %arg12[%add3A_944] : memref<96xf32, #tpu.memory_space<vmem>>[vector<16xi32>], vector<16xf32>,
      %mul3A_946 = arith.mulf %mul3A_56, %gather3A_917 : vector<16xf32>
      %mul3A_947 = arith.mulf %mul3A_57, %gather3A_921 : vector<16xf32>
      %add3A_948 = arith.addf %mul3A_946, %mul3A_947 : vector<16xf32>
      %mul3A_949 = arith.mulf %mul3A_58, %gather3A_925 : vector<16xf32>
      %add3A_950 = arith.addf %add3A_948, %mul3A_949 : vector<16xf32>
      %mul3A_951 = arith.mulf %mul3A_59, %gather3A_929 : vector<16xf32>
      %add3A_952 = arith.addf %add3A_950, %mul3A_951 : vector<16xf32>
      %mul3A_953 = arith.mulf %mul3A_56, %gather3A_933 : vector<16xf32>
      %mul3A_954 = arith.mulf %mul3A_57, %gather3A_937 : vector<16xf32>
      %add3A_955 = arith.addf %mul3A_953, %mul3A_954 : vector<16xf32>
      %mul3A_956 = arith.mulf %mul3A_58, %gather3A_941 : vector<16xf32>
      %add3A_957 = arith.addf %add3A_955, %mul3A_956 : vector<16xf32>
      %mul3A_958 = arith.mulf %mul3A_59, %gather3A_945 : vector<16xf32>
      %add3A_959 = arith.addf %add3A_957, %mul3A_958 : vector<16xf32>
      %mul3A_960 = arith.mulf %add3A_952, %add3A_952 : vector<16xf32>
      %mul3A_961 = arith.mulf %add3A_959, %add3A_959 : vector<16xf32>
      %add3A_962 = arith.addf %mul3A_960, %mul3A_961 : vector<16xf32>
      %max3A_963 = arith.constant 1.000000e-30 : f32
      %max3A_964 = vector.broadcast %max3A_963 : f32 to vector<16xf32>
      %max3A_965 = arith.maximumf %add3A_962, %max3A_964 : vector<16xf32>
      %bitcast3A_966 = vector.bitcast %max3A_965 : vector<16xf32> to vector<16xi32>
      %shift_right_logical3A_967 = arith.constant 1 : i32
      %shift_right_logical3A_968 = vector.broadcast %shift_right_logical3A_967 : i32 to vector<16xi32>
      %shift_right_logical3A_969 = arith.shrui %bitcast3A_966, %shift_right_logical3A_968 : vector<16xi32>
      %sub3A_970 = arith.constant 1597463007 : i32
      %sub3A_971 = vector.broadcast %sub3A_970 : i32 to vector<16xi32>
      %sub3A_972 = arith.subi %sub3A_971, %shift_right_logical3A_969 : vector<16xi32>
      %bitcast3A_973 = vector.bitcast %sub3A_972 : vector<16xi32> to vector<16xf32>
      %mul3A_974 = arith.constant 5.000000e-01 : f32
      %mul3A_975 = vector.broadcast %mul3A_974 : f32 to vector<16xf32>
      %mul3A_976 = arith.mulf %mul3A_975, %max3A_965 : vector<16xf32>
      %mul3A_977 = arith.mulf %mul3A_976, %bitcast3A_973 : vector<16xf32>
      %mul3A_978 = arith.mulf %mul3A_977, %bitcast3A_973 : vector<16xf32>
      %sub3A_979 = arith.constant 1.500000e+00 : f32
      %sub3A_980 = vector.broadcast %sub3A_979 : f32 to vector<16xf32>
      %sub3A_981 = arith.subf %sub3A_980, %mul3A_978 : vector<16xf32>
      %mul3A_982 = arith.mulf %bitcast3A_973, %sub3A_981 : vector<16xf32>
      %mul3A_983 = arith.constant 5.000000e-01 : f32
      %mul3A_984 = vector.broadcast %mul3A_983 : f32 to vector<16xf32>
      %mul3A_985 = arith.mulf %mul3A_984, %max3A_965 : vector<16xf32>
      %mul3A_986 = arith.mulf %mul3A_985, %mul3A_982 : vector<16xf32>
      %mul3A_987 = arith.mulf %mul3A_986, %mul3A_982 : vector<16xf32>
      %sub3A_988 = arith.constant 1.500000e+00 : f32
      %sub3A_989 = vector.broadcast %sub3A_988 : f32 to vector<16xf32>
      %sub3A_990 = arith.subf %sub3A_989, %mul3A_987 : vector<16xf32>
      %mul3A_991 = arith.mulf %mul3A_982, %sub3A_990 : vector<16xf32>
      %mul3A_992 = arith.constant 5.000000e-01 : f32
      %mul3A_993 = vector.broadcast %mul3A_992 : f32 to vector<16xf32>
      %mul3A_994 = arith.mulf %mul3A_993, %max3A_965 : vector<16xf32>
      %mul3A_995 = arith.mulf %mul3A_994, %mul3A_991 : vector<16xf32>
      %mul3A_996 = arith.mulf %mul3A_995, %mul3A_991 : vector<16xf32>
      %sub3A_997 = arith.constant 1.500000e+00 : f32
      %sub3A_998 = vector.broadcast %sub3A_997 : f32 to vector<16xf32>
      %sub3A_999 = arith.subf %sub3A_998, %mul3A_996 : vector<16xf32>
      %mul3A_1000 = arith.mulf %mul3A_991, %sub3A_999 : vector<16xf32>
      %mul3A_1001 = arith.mulf %add3A_962, %mul3A_1000 : vector<16xf32>
      %mul3A_1002 = arith.constant -1.000000e+01 : f32
      %mul3A_1003 = vector.broadcast %mul3A_1002 : f32 to vector<16xf32>
      %mul3A_1004 = arith.mulf %mul3A_1003, %mul3A_1001 : vector<16xf32>
      %exp3A_1005 = math.exp %mul3A_1004 : vector<16xf32>
      %add3A_1006 = arith.constant 14 : i32
      %add3A_1007 = vector.broadcast %add3A_1006 : i32 to vector<16xi32>
      %add3A_1008 = arith.addi %add3A_63, %add3A_1007 : vector<16xi32>
      tpu.vector_store_idx %arg13[%add3A_1008], %exp3A_1005 : memref<2048xf32, #tpu.memory_space<vmem>>[vector<16xi32>], vector<16xf32>,
    }
    %scan3A_31 = arith.constant 8 : i32
    %scan3A_32 = arith.constant 0 : i32
    %scan3A_33 = arith.constant 0 : i32
    %scan3A_34 = arith.constant 8 : i32
    %scan3A_35 = arith.addi %scan3A_33, %scan3A_34 : i32
    %scan3A_36 = arith.constant 1 : i32
    scf.for %scan3A_38 = %scan3A_33 to %scan3A_35 step %scan3A_36  : i32 {
      %mul3A_39 = arith.constant 16 : i32
      %mul3A_40 = arith.muli %scan3A_38, %mul3A_39 : i32
      %get3A = arith.constant 1 : i32
      %get3A_41 = arith.index_cast %get3A : i32 to index
      %get3A_42 = arith.index_cast %mul3A_40 : i32 to index
      %get3A_43 = tpu.vector_load %arg11[%get3A_41, %get3A_42] {strides = array<i32>} : memref<9x128xf32, #tpu.memory_space<vmem>>, vector<16xf32>,
      %gt3A = arith.constant 5.000000e-01 : f32
      %gt3A_44 = vector.broadcast %gt3A : f32 to vector<16xf32>
      %gt3A_45 = arith.cmpf ogt, %get3A_43, %gt3A_44 : vector<16xf32>
      %get3A_46 = arith.constant 2 : i32
      %get3A_47 = arith.index_cast %get3A_46 : i32 to index
      %get3A_48 = arith.index_cast %mul3A_40 : i32 to index
      %get3A_49 = tpu.vector_load %arg11[%get3A_47, %get3A_48] {strides = array<i32>} : memref<9x128xf32, #tpu.memory_space<vmem>>, vector<16xf32>,
      %gt3A_50 = arith.constant 5.000000e-01 : f32
      %gt3A_51 = vector.broadcast %gt3A_50 : f32 to vector<16xf32>
      %gt3A_52 = arith.cmpf ogt, %get3A_49, %gt3A_51 : vector<16xf32>
      %get3A_53 = arith.constant 3 : i32
      %get3A_54 = arith.index_cast %get3A_53 : i32 to index
      %get3A_55 = arith.index_cast %mul3A_40 : i32 to index
      %get3A_56 = tpu.vector_load %arg11[%get3A_54, %get3A_55] {strides = array<i32>} : memref<9x128xf32, #tpu.memory_space<vmem>>, vector<16xf32>,
      %gt3A_57 = arith.constant 5.000000e-01 : f32
      %gt3A_58 = vector.broadcast %gt3A_57 : f32 to vector<16xf32>
      %gt3A_59 = arith.cmpf ogt, %get3A_56, %gt3A_58 : vector<16xf32>
      %get3A_60 = arith.constant 4 : i32
      %get3A_61 = arith.index_cast %get3A_60 : i32 to index
      %get3A_62 = arith.index_cast %mul3A_40 : i32 to index
      %get3A_63 = tpu.vector_load %arg11[%get3A_61, %get3A_62] {strides = array<i32>} : memref<9x128xf32, #tpu.memory_space<vmem>>, vector<16xf32>,
      %gt3A_64 = arith.constant 5.000000e-01 : f32
      %gt3A_65 = vector.broadcast %gt3A_64 : f32 to vector<16xf32>
      %gt3A_66 = arith.cmpf ogt, %get3A_63, %gt3A_65 : vector<16xf32>
      %get3A_67 = arith.constant 5 : i32
      %get3A_68 = arith.index_cast %get3A_67 : i32 to index
      %get3A_69 = arith.index_cast %mul3A_40 : i32 to index
      %get3A_70 = tpu.vector_load %arg11[%get3A_68, %get3A_69] {strides = array<i32>} : memref<9x128xf32, #tpu.memory_space<vmem>>, vector<16xf32>,
      %gt3A_71 = arith.constant 5.000000e-01 : f32
      %gt3A_72 = vector.broadcast %gt3A_71 : f32 to vector<16xf32>
      %gt3A_73 = arith.cmpf ogt, %get3A_70, %gt3A_72 : vector<16xf32>
      %get3A_74 = arith.constant 6 : i32
      %get3A_75 = arith.index_cast %get3A_74 : i32 to index
      %get3A_76 = arith.index_cast %mul3A_40 : i32 to index
      %get3A_77 = tpu.vector_load %arg11[%get3A_75, %get3A_76] {strides = array<i32>} : memref<9x128xf32, #tpu.memory_space<vmem>>, vector<16xf32>,
      %gt3A_78 = arith.constant 5.000000e-01 : f32
      %gt3A_79 = vector.broadcast %gt3A_78 : f32 to vector<16xf32>
      %gt3A_80 = arith.cmpf ogt, %get3A_77, %gt3A_79 : vector<16xf32>
      %get3A_81 = arith.constant 7 : i32
      %get3A_82 = arith.index_cast %get3A_81 : i32 to index
      %get3A_83 = arith.index_cast %mul3A_40 : i32 to index
      %get3A_84 = tpu.vector_load %arg11[%get3A_82, %get3A_83] {strides = array<i32>} : memref<9x128xf32, #tpu.memory_space<vmem>>, vector<16xf32>,
      %gt3A_85 = arith.constant 5.000000e-01 : f32
      %gt3A_86 = vector.broadcast %gt3A_85 : f32 to vector<16xf32>
      %gt3A_87 = arith.cmpf ogt, %get3A_84, %gt3A_86 : vector<16xf32>
      %get3A_88 = arith.constant 8 : i32
      %get3A_89 = arith.index_cast %get3A_88 : i32 to index
      %get3A_90 = arith.index_cast %mul3A_40 : i32 to index
      %get3A_91 = tpu.vector_load %arg11[%get3A_89, %get3A_90] {strides = array<i32>} : memref<9x128xf32, #tpu.memory_space<vmem>>, vector<16xf32>,
      %gt3A_92 = arith.constant 5.000000e-01 : f32
      %gt3A_93 = vector.broadcast %gt3A_92 : f32 to vector<16xf32>
      %gt3A_94 = arith.cmpf ogt, %get3A_91, %gt3A_93 : vector<16xf32>
      %mul3A_95 = arith.constant 256 : i32
      %mul3A_96 = arith.muli %scan3A_38, %mul3A_95 : i32
      %add3A_97 = vector.broadcast %mul3A_96 : i32 to vector<16xi32>
      %add3A_98 = arith.addi %mul3A_25, %add3A_97 : vector<16xi32>
      %scan3A_99 = arith.constant 0 : i32
      %scan3A_100 = arith.constant 0 : i32
      %scan3A_101 = arith.constant 28 : i32
      %scan3A_102 = arith.addi %scan3A_100, %scan3A_101 : i32
      %scan3A_103 = arith.constant 1 : i32
      scf.for %scan3A_105 = %scan3A_100 to %scan3A_102 step %scan3A_103  : i32 {
        %mul3A_106 = arith.constant 2 : i32
        %mul3A_107 = arith.muli %scan3A_105, %mul3A_106 : i32
        %get3A_108 = arith.index_cast %mul3A_107 : i32 to index
        %get3A_109 = arith.index_cast %mul3A_40 : i32 to index
        %get3A_110 = tpu.vector_load %arg8[%get3A_108, %get3A_109] {strides = array<i32>} : memref<512x128xi32, #tpu.memory_space<vmem>>, vector<16xi32>,
        %shift_left3A = arith.constant 2 : i32
        %shift_left3A_111 = vector.broadcast %shift_left3A : i32 to vector<16xi32>
        %shift_left3A_112 = arith.shli %get3A_110, %shift_left3A_111 : vector<16xi32>
        %add3A_113 = arith.addi %shift_left3A_112, %add3A_98 : vector<16xi32>
        %broadcast_in_dim3A_114 = arith.constant 0.000000e+00 : f32
        %broadcast_in_dim3A_115 = vector.broadcast %broadcast_in_dim3A_114 : f32 to vector<16xf32>
        %add3A_116 = arith.constant 448 : i32
        %add3A_117 = arith.addi %add3A_116, %mul3A_107 : i32
        %get3A_118 = arith.index_cast %add3A_117 : i32 to index
        %get3A_119 = arith.index_cast %mul3A_40 : i32 to index
        %get3A_120 = tpu.vector_load %arg8[%get3A_118, %get3A_119] {strides = array<i32>} : memref<512x128xi32, #tpu.memory_space<vmem>>, vector<16xi32>,
        %or3A = arith.ori %add3A_113, %get3A_120 : vector<16xi32>
        %gather3A = tpu.vector_load_idx %arg13[%or3A] : memref<2048xf32, #tpu.memory_space<vmem>>[vector<16xi32>], vector<16xf32>,
        %add3A_121 = arith.addf %broadcast_in_dim3A_115, %gather3A : vector<16xf32>
        %jit3A = arith.constant 1.000000e+00 : f32
        %broadcast_in_dim3A_122 = vector.broadcast %jit3A : f32 to vector<16xf32>
        %select_n3A = arith.select %gt3A_94, %gather3A, %broadcast_in_dim3A_122 : vector<16xi1>, vector<16xf32>
        %mul3A_123 = arith.mulf %broadcast_in_dim3A_14, %select_n3A : vector<16xf32>
        %jit3A_124 = arith.constant 1.000000e+00 : f32
        %broadcast_in_dim3A_125 = vector.broadcast %jit3A_124 : f32 to vector<16xf32>
        %select_n3A_126 = arith.select %gt3A_94, %add3A_121, %broadcast_in_dim3A_125 : vector<16xi1>, vector<16xf32>
        %mul3A_127 = arith.mulf %broadcast_in_dim3A_14, %select_n3A_126 : vector<16xf32>
        %add3A_128 = arith.constant 392 : i32
        %add3A_129 = arith.addi %add3A_128, %mul3A_107 : i32
        %get3A_130 = arith.index_cast %add3A_129 : i32 to index
        %get3A_131 = arith.index_cast %mul3A_40 : i32 to index
        %get3A_132 = tpu.vector_load %arg8[%get3A_130, %get3A_131] {strides = array<i32>} : memref<512x128xi32, #tpu.memory_space<vmem>>, vector<16xi32>,
        %or3A_133 = arith.ori %add3A_113, %get3A_132 : vector<16xi32>
        %gather3A_134 = tpu.vector_load_idx %arg13[%or3A_133] : memref<2048xf32, #tpu.memory_space<vmem>>[vector<16xi32>], vector<16xf32>,
        %add3A_135 = arith.addf %add3A_121, %gather3A_134 : vector<16xf32>
        %jit3A_136 = arith.constant 1.000000e+00 : f32
        %broadcast_in_dim3A_137 = vector.broadcast %jit3A_136 : f32 to vector<16xf32>
        %select_n3A_138 = arith.select %gt3A_87, %gather3A_134, %broadcast_in_dim3A_137 : vector<16xi1>, vector<16xf32>
        %mul3A_139 = arith.mulf %mul3A_123, %select_n3A_138 : vector<16xf32>
        %jit3A_140 = arith.constant 1.000000e+00 : f32
        %broadcast_in_dim3A_141 = vector.broadcast %jit3A_140 : f32 to vector<16xf32>
        %select_n3A_142 = arith.select %gt3A_87, %add3A_135, %broadcast_in_dim3A_141 : vector<16xi1>, vector<16xf32>
        %mul3A_143 = arith.mulf %mul3A_127, %select_n3A_142 : vector<16xf32>
        %add3A_144 = arith.constant 336 : i32
        %add3A_145 = arith.addi %add3A_144, %mul3A_107 : i32
        %get3A_146 = arith.index_cast %add3A_145 : i32 to index
        %get3A_147 = arith.index_cast %mul3A_40 : i32 to index
        %get3A_148 = tpu.vector_load %arg8[%get3A_146, %get3A_147] {strides = array<i32>} : memref<512x128xi32, #tpu.memory_space<vmem>>, vector<16xi32>,
        %or3A_149 = arith.ori %add3A_113, %get3A_148 : vector<16xi32>
        %gather3A_150 = tpu.vector_load_idx %arg13[%or3A_149] : memref<2048xf32, #tpu.memory_space<vmem>>[vector<16xi32>], vector<16xf32>,
        %add3A_151 = arith.addf %add3A_135, %gather3A_150 : vector<16xf32>
        %jit3A_152 = arith.constant 1.000000e+00 : f32
        %broadcast_in_dim3A_153 = vector.broadcast %jit3A_152 : f32 to vector<16xf32>
        %select_n3A_154 = arith.select %gt3A_80, %gather3A_150, %broadcast_in_dim3A_153 : vector<16xi1>, vector<16xf32>
        %mul3A_155 = arith.mulf %mul3A_139, %select_n3A_154 : vector<16xf32>
        %jit3A_156 = arith.constant 1.000000e+00 : f32
        %broadcast_in_dim3A_157 = vector.broadcast %jit3A_156 : f32 to vector<16xf32>
        %select_n3A_158 = arith.select %gt3A_80, %add3A_151, %broadcast_in_dim3A_157 : vector<16xi1>, vector<16xf32>
        %mul3A_159 = arith.mulf %mul3A_143, %select_n3A_158 : vector<16xf32>
        %add3A_160 = arith.constant 280 : i32
        %add3A_161 = arith.addi %add3A_160, %mul3A_107 : i32
        %get3A_162 = arith.index_cast %add3A_161 : i32 to index
        %get3A_163 = arith.index_cast %mul3A_40 : i32 to index
        %get3A_164 = tpu.vector_load %arg8[%get3A_162, %get3A_163] {strides = array<i32>} : memref<512x128xi32, #tpu.memory_space<vmem>>, vector<16xi32>,
        %or3A_165 = arith.ori %add3A_113, %get3A_164 : vector<16xi32>
        %gather3A_166 = tpu.vector_load_idx %arg13[%or3A_165] : memref<2048xf32, #tpu.memory_space<vmem>>[vector<16xi32>], vector<16xf32>,
        %add3A_167 = arith.addf %add3A_151, %gather3A_166 : vector<16xf32>
        %jit3A_168 = arith.constant 1.000000e+00 : f32
        %broadcast_in_dim3A_169 = vector.broadcast %jit3A_168 : f32 to vector<16xf32>
        %select_n3A_170 = arith.select %gt3A_73, %gather3A_166, %broadcast_in_dim3A_169 : vector<16xi1>, vector<16xf32>
        %mul3A_171 = arith.mulf %mul3A_155, %select_n3A_170 : vector<16xf32>
        %jit3A_172 = arith.constant 1.000000e+00 : f32
        %broadcast_in_dim3A_173 = vector.broadcast %jit3A_172 : f32 to vector<16xf32>
        %select_n3A_174 = arith.select %gt3A_73, %add3A_167, %broadcast_in_dim3A_173 : vector<16xi1>, vector<16xf32>
        %mul3A_175 = arith.mulf %mul3A_159, %select_n3A_174 : vector<16xf32>
        %div3A = arith.divf %mul3A_171, %mul3A_175 : vector<16xf32>
        %mul3A_176 = arith.mulf %broadcast_in_dim3A_14, %div3A : vector<16xf32>
        %add3A_177 = arith.constant 224 : i32
        %add3A_178 = arith.addi %add3A_177, %mul3A_107 : i32
        %get3A_179 = arith.index_cast %add3A_178 : i32 to index
        %get3A_180 = arith.index_cast %mul3A_40 : i32 to index
        %get3A_181 = tpu.vector_load %arg8[%get3A_179, %get3A_180] {strides = array<i32>} : memref<512x128xi32, #tpu.memory_space<vmem>>, vector<16xi32>,
        %or3A_182 = arith.ori %add3A_113, %get3A_181 : vector<16xi32>
        %gather3A_183 = tpu.vector_load_idx %arg13[%or3A_182] : memref<2048xf32, #tpu.memory_space<vmem>>[vector<16xi32>], vector<16xf32>,
        %add3A_184 = arith.addf %add3A_167, %gather3A_183 : vector<16xf32>
        %jit3A_185 = arith.constant 1.000000e+00 : f32
        %broadcast_in_dim3A_186 = vector.broadcast %jit3A_185 : f32 to vector<16xf32>
        %select_n3A_187 = arith.select %gt3A_66, %gather3A_183, %broadcast_in_dim3A_186 : vector<16xi1>, vector<16xf32>
        %mul3A_188 = arith.mulf %broadcast_in_dim3A_14, %select_n3A_187 : vector<16xf32>
        %jit3A_189 = arith.constant 1.000000e+00 : f32
        %broadcast_in_dim3A_190 = vector.broadcast %jit3A_189 : f32 to vector<16xf32>
        %select_n3A_191 = arith.select %gt3A_66, %add3A_184, %broadcast_in_dim3A_190 : vector<16xi1>, vector<16xf32>
        %mul3A_192 = arith.mulf %broadcast_in_dim3A_14, %select_n3A_191 : vector<16xf32>
        %add3A_193 = arith.constant 168 : i32
        %add3A_194 = arith.addi %add3A_193, %mul3A_107 : i32
        %get3A_195 = arith.index_cast %add3A_194 : i32 to index
        %get3A_196 = arith.index_cast %mul3A_40 : i32 to index
        %get3A_197 = tpu.vector_load %arg8[%get3A_195, %get3A_196] {strides = array<i32>} : memref<512x128xi32, #tpu.memory_space<vmem>>, vector<16xi32>,
        %or3A_198 = arith.ori %add3A_113, %get3A_197 : vector<16xi32>
        %gather3A_199 = tpu.vector_load_idx %arg13[%or3A_198] : memref<2048xf32, #tpu.memory_space<vmem>>[vector<16xi32>], vector<16xf32>,
        %add3A_200 = arith.addf %add3A_184, %gather3A_199 : vector<16xf32>
        %jit3A_201 = arith.constant 1.000000e+00 : f32
        %broadcast_in_dim3A_202 = vector.broadcast %jit3A_201 : f32 to vector<16xf32>
        %select_n3A_203 = arith.select %gt3A_59, %gather3A_199, %broadcast_in_dim3A_202 : vector<16xi1>, vector<16xf32>
        %mul3A_204 = arith.mulf %mul3A_188, %select_n3A_203 : vector<16xf32>
        %jit3A_205 = arith.constant 1.000000e+00 : f32
        %broadcast_in_dim3A_206 = vector.broadcast %jit3A_205 : f32 to vector<16xf32>
        %select_n3A_207 = arith.select %gt3A_59, %add3A_200, %broadcast_in_dim3A_206 : vector<16xi1>, vector<16xf32>
        %mul3A_208 = arith.mulf %mul3A_192, %select_n3A_207 : vector<16xf32>
        %add3A_209 = arith.constant 112 : i32
        %add3A_210 = arith.addi %add3A_209, %mul3A_107 : i32
        %get3A_211 = arith.index_cast %add3A_210 : i32 to index
        %get3A_212 = arith.index_cast %mul3A_40 : i32 to index
        %get3A_213 = tpu.vector_load %arg8[%get3A_211, %get3A_212] {strides = array<i32>} : memref<512x128xi32, #tpu.memory_space<vmem>>, vector<16xi32>,
        %or3A_214 = arith.ori %add3A_113, %get3A_213 : vector<16xi32>
        %gather3A_215 = tpu.vector_load_idx %arg13[%or3A_214] : memref<2048xf32, #tpu.memory_space<vmem>>[vector<16xi32>], vector<16xf32>,
        %add3A_216 = arith.addf %add3A_200, %gather3A_215 : vector<16xf32>
        %jit3A_217 = arith.constant 1.000000e+00 : f32
        %broadcast_in_dim3A_218 = vector.broadcast %jit3A_217 : f32 to vector<16xf32>
        %select_n3A_219 = arith.select %gt3A_52, %gather3A_215, %broadcast_in_dim3A_218 : vector<16xi1>, vector<16xf32>
        %mul3A_220 = arith.mulf %mul3A_204, %select_n3A_219 : vector<16xf32>
        %jit3A_221 = arith.constant 1.000000e+00 : f32
        %broadcast_in_dim3A_222 = vector.broadcast %jit3A_221 : f32 to vector<16xf32>
        %select_n3A_223 = arith.select %gt3A_52, %add3A_216, %broadcast_in_dim3A_222 : vector<16xi1>, vector<16xf32>
        %mul3A_224 = arith.mulf %mul3A_208, %select_n3A_223 : vector<16xf32>
        %add3A_225 = arith.constant 56 : i32
        %add3A_226 = arith.addi %add3A_225, %mul3A_107 : i32
        %get3A_227 = arith.index_cast %add3A_226 : i32 to index
        %get3A_228 = arith.index_cast %mul3A_40 : i32 to index
        %get3A_229 = tpu.vector_load %arg8[%get3A_227, %get3A_228] {strides = array<i32>} : memref<512x128xi32, #tpu.memory_space<vmem>>, vector<16xi32>,
        %or3A_230 = arith.ori %add3A_113, %get3A_229 : vector<16xi32>
        %gather3A_231 = tpu.vector_load_idx %arg13[%or3A_230] : memref<2048xf32, #tpu.memory_space<vmem>>[vector<16xi32>], vector<16xf32>,
        %add3A_232 = arith.addf %add3A_216, %gather3A_231 : vector<16xf32>
        %jit3A_233 = arith.constant 1.000000e+00 : f32
        %broadcast_in_dim3A_234 = vector.broadcast %jit3A_233 : f32 to vector<16xf32>
        %select_n3A_235 = arith.select %gt3A_45, %gather3A_231, %broadcast_in_dim3A_234 : vector<16xi1>, vector<16xf32>
        %mul3A_236 = arith.mulf %mul3A_220, %select_n3A_235 : vector<16xf32>
        %jit3A_237 = arith.constant 1.000000e+00 : f32
        %broadcast_in_dim3A_238 = vector.broadcast %jit3A_237 : f32 to vector<16xf32>
        %select_n3A_239 = arith.select %gt3A_45, %add3A_232, %broadcast_in_dim3A_238 : vector<16xi1>, vector<16xf32>
        %mul3A_240 = arith.mulf %mul3A_224, %select_n3A_239 : vector<16xf32>
        %div3A_241 = arith.divf %mul3A_236, %mul3A_240 : vector<16xf32>
        %mul3A_242 = arith.mulf %mul3A_176, %div3A_241 : vector<16xf32>
        %gt3A_243 = arith.constant 0.000000e+00 : f32
        %gt3A_244 = vector.broadcast %gt3A_243 : f32 to vector<16xf32>
        %gt3A_245 = arith.cmpf ogt, %mul3A_242, %gt3A_244 : vector<16xf32>
        %jit3A_246 = arith.constant 0.000000e+00 : f32
        %broadcast_in_dim3A_247 = vector.broadcast %jit3A_246 : f32 to vector<16xf32>
        %select_n3A_248 = arith.select %gt3A_245, %mul3A_242, %broadcast_in_dim3A_247 : vector<16xi1>, vector<16xf32>
        %swap3A = arith.index_cast %mul3A_107 : i32 to index
        %swap3A_249 = arith.index_cast %mul3A_40 : i32 to index
        %swap3A_250 = tpu.vector_load %arg14[%swap3A, %swap3A_249] {strides = array<i32>} : memref<56x128xf32, #tpu.memory_space<vmem>>, vector<16xf32>,
        tpu.vector_store %arg14[%swap3A, %swap3A_249], %select_n3A_248 {strides = array<i32>} : memref<56x128xf32, #tpu.memory_space<vmem>>, vector<16xf32>,
        %mul3A_251 = arith.constant 2 : i32
        %mul3A_252 = arith.muli %scan3A_105, %mul3A_251 : i32
        %add3A_253 = arith.constant 1 : i32
        %add3A_254 = arith.addi %mul3A_252, %add3A_253 : i32
        %get3A_255 = arith.index_cast %add3A_254 : i32 to index
        %get3A_256 = arith.index_cast %mul3A_40 : i32 to index
        %get3A_257 = tpu.vector_load %arg8[%get3A_255, %get3A_256] {strides = array<i32>} : memref<512x128xi32, #tpu.memory_space<vmem>>, vector<16xi32>,
        %shift_left3A_258 = arith.constant 2 : i32
        %shift_left3A_259 = vector.broadcast %shift_left3A_258 : i32 to vector<16xi32>
        %shift_left3A_260 = arith.shli %get3A_257, %shift_left3A_259 : vector<16xi32>
        %add3A_261 = arith.addi %shift_left3A_260, %add3A_98 : vector<16xi32>
        %broadcast_in_dim3A_262 = arith.constant 0.000000e+00 : f32
        %broadcast_in_dim3A_263 = vector.broadcast %broadcast_in_dim3A_262 : f32 to vector<16xf32>
        %add3A_264 = arith.constant 448 : i32
        %add3A_265 = arith.addi %add3A_264, %add3A_254 : i32
        %get3A_266 = arith.index_cast %add3A_265 : i32 to index
        %get3A_267 = arith.index_cast %mul3A_40 : i32 to index
        %get3A_268 = tpu.vector_load %arg8[%get3A_266, %get3A_267] {strides = array<i32>} : memref<512x128xi32, #tpu.memory_space<vmem>>, vector<16xi32>,
        %or3A_269 = arith.ori %add3A_261, %get3A_268 : vector<16xi32>
        %gather3A_270 = tpu.vector_load_idx %arg13[%or3A_269] : memref<2048xf32, #tpu.memory_space<vmem>>[vector<16xi32>], vector<16xf32>,
        %add3A_271 = arith.addf %broadcast_in_dim3A_263, %gather3A_270 : vector<16xf32>
        %jit3A_272 = arith.constant 1.000000e+00 : f32
        %broadcast_in_dim3A_273 = vector.broadcast %jit3A_272 : f32 to vector<16xf32>
        %select_n3A_274 = arith.select %gt3A_94, %gather3A_270, %broadcast_in_dim3A_273 : vector<16xi1>, vector<16xf32>
        %mul3A_275 = arith.mulf %broadcast_in_dim3A_14, %select_n3A_274 : vector<16xf32>
        %jit3A_276 = arith.constant 1.000000e+00 : f32
        %broadcast_in_dim3A_277 = vector.broadcast %jit3A_276 : f32 to vector<16xf32>
        %select_n3A_278 = arith.select %gt3A_94, %add3A_271, %broadcast_in_dim3A_277 : vector<16xi1>, vector<16xf32>
        %mul3A_279 = arith.mulf %broadcast_in_dim3A_14, %select_n3A_278 : vector<16xf32>
        %add3A_280 = arith.constant 392 : i32
        %add3A_281 = arith.addi %add3A_280, %add3A_254 : i32
        %get3A_282 = arith.index_cast %add3A_281 : i32 to index
        %get3A_283 = arith.index_cast %mul3A_40 : i32 to index
        %get3A_284 = tpu.vector_load %arg8[%get3A_282, %get3A_283] {strides = array<i32>} : memref<512x128xi32, #tpu.memory_space<vmem>>, vector<16xi32>,
        %or3A_285 = arith.ori %add3A_261, %get3A_284 : vector<16xi32>
        %gather3A_286 = tpu.vector_load_idx %arg13[%or3A_285] : memref<2048xf32, #tpu.memory_space<vmem>>[vector<16xi32>], vector<16xf32>,
        %add3A_287 = arith.addf %add3A_271, %gather3A_286 : vector<16xf32>
        %jit3A_288 = arith.constant 1.000000e+00 : f32
        %broadcast_in_dim3A_289 = vector.broadcast %jit3A_288 : f32 to vector<16xf32>
        %select_n3A_290 = arith.select %gt3A_87, %gather3A_286, %broadcast_in_dim3A_289 : vector<16xi1>, vector<16xf32>
        %mul3A_291 = arith.mulf %mul3A_275, %select_n3A_290 : vector<16xf32>
        %jit3A_292 = arith.constant 1.000000e+00 : f32
        %broadcast_in_dim3A_293 = vector.broadcast %jit3A_292 : f32 to vector<16xf32>
        %select_n3A_294 = arith.select %gt3A_87, %add3A_287, %broadcast_in_dim3A_293 : vector<16xi1>, vector<16xf32>
        %mul3A_295 = arith.mulf %mul3A_279, %select_n3A_294 : vector<16xf32>
        %add3A_296 = arith.constant 336 : i32
        %add3A_297 = arith.addi %add3A_296, %add3A_254 : i32
        %get3A_298 = arith.index_cast %add3A_297 : i32 to index
        %get3A_299 = arith.index_cast %mul3A_40 : i32 to index
        %get3A_300 = tpu.vector_load %arg8[%get3A_298, %get3A_299] {strides = array<i32>} : memref<512x128xi32, #tpu.memory_space<vmem>>, vector<16xi32>,
        %or3A_301 = arith.ori %add3A_261, %get3A_300 : vector<16xi32>
        %gather3A_302 = tpu.vector_load_idx %arg13[%or3A_301] : memref<2048xf32, #tpu.memory_space<vmem>>[vector<16xi32>], vector<16xf32>,
        %add3A_303 = arith.addf %add3A_287, %gather3A_302 : vector<16xf32>
        %jit3A_304 = arith.constant 1.000000e+00 : f32
        %broadcast_in_dim3A_305 = vector.broadcast %jit3A_304 : f32 to vector<16xf32>
        %select_n3A_306 = arith.select %gt3A_80, %gather3A_302, %broadcast_in_dim3A_305 : vector<16xi1>, vector<16xf32>
        %mul3A_307 = arith.mulf %mul3A_291, %select_n3A_306 : vector<16xf32>
        %jit3A_308 = arith.constant 1.000000e+00 : f32
        %broadcast_in_dim3A_309 = vector.broadcast %jit3A_308 : f32 to vector<16xf32>
        %select_n3A_310 = arith.select %gt3A_80, %add3A_303, %broadcast_in_dim3A_309 : vector<16xi1>, vector<16xf32>
        %mul3A_311 = arith.mulf %mul3A_295, %select_n3A_310 : vector<16xf32>
        %add3A_312 = arith.constant 280 : i32
        %add3A_313 = arith.addi %add3A_312, %add3A_254 : i32
        %get3A_314 = arith.index_cast %add3A_313 : i32 to index
        %get3A_315 = arith.index_cast %mul3A_40 : i32 to index
        %get3A_316 = tpu.vector_load %arg8[%get3A_314, %get3A_315] {strides = array<i32>} : memref<512x128xi32, #tpu.memory_space<vmem>>, vector<16xi32>,
        %or3A_317 = arith.ori %add3A_261, %get3A_316 : vector<16xi32>
        %gather3A_318 = tpu.vector_load_idx %arg13[%or3A_317] : memref<2048xf32, #tpu.memory_space<vmem>>[vector<16xi32>], vector<16xf32>,
        %add3A_319 = arith.addf %add3A_303, %gather3A_318 : vector<16xf32>
        %jit3A_320 = arith.constant 1.000000e+00 : f32
        %broadcast_in_dim3A_321 = vector.broadcast %jit3A_320 : f32 to vector<16xf32>
        %select_n3A_322 = arith.select %gt3A_73, %gather3A_318, %broadcast_in_dim3A_321 : vector<16xi1>, vector<16xf32>
        %mul3A_323 = arith.mulf %mul3A_307, %select_n3A_322 : vector<16xf32>
        %jit3A_324 = arith.constant 1.000000e+00 : f32
        %broadcast_in_dim3A_325 = vector.broadcast %jit3A_324 : f32 to vector<16xf32>
        %select_n3A_326 = arith.select %gt3A_73, %add3A_319, %broadcast_in_dim3A_325 : vector<16xi1>, vector<16xf32>
        %mul3A_327 = arith.mulf %mul3A_311, %select_n3A_326 : vector<16xf32>
        %div3A_328 = arith.divf %mul3A_323, %mul3A_327 : vector<16xf32>
        %mul3A_329 = arith.mulf %broadcast_in_dim3A_14, %div3A_328 : vector<16xf32>
        %add3A_330 = arith.constant 224 : i32
        %add3A_331 = arith.addi %add3A_330, %add3A_254 : i32
        %get3A_332 = arith.index_cast %add3A_331 : i32 to index
        %get3A_333 = arith.index_cast %mul3A_40 : i32 to index
        %get3A_334 = tpu.vector_load %arg8[%get3A_332, %get3A_333] {strides = array<i32>} : memref<512x128xi32, #tpu.memory_space<vmem>>, vector<16xi32>,
        %or3A_335 = arith.ori %add3A_261, %get3A_334 : vector<16xi32>
        %gather3A_336 = tpu.vector_load_idx %arg13[%or3A_335] : memref<2048xf32, #tpu.memory_space<vmem>>[vector<16xi32>], vector<16xf32>,
        %add3A_337 = arith.addf %add3A_319, %gather3A_336 : vector<16xf32>
        %jit3A_338 = arith.constant 1.000000e+00 : f32
        %broadcast_in_dim3A_339 = vector.broadcast %jit3A_338 : f32 to vector<16xf32>
        %select_n3A_340 = arith.select %gt3A_66, %gather3A_336, %broadcast_in_dim3A_339 : vector<16xi1>, vector<16xf32>
        %mul3A_341 = arith.mulf %broadcast_in_dim3A_14, %select_n3A_340 : vector<16xf32>
        %jit3A_342 = arith.constant 1.000000e+00 : f32
        %broadcast_in_dim3A_343 = vector.broadcast %jit3A_342 : f32 to vector<16xf32>
        %select_n3A_344 = arith.select %gt3A_66, %add3A_337, %broadcast_in_dim3A_343 : vector<16xi1>, vector<16xf32>
        %mul3A_345 = arith.mulf %broadcast_in_dim3A_14, %select_n3A_344 : vector<16xf32>
        %add3A_346 = arith.constant 168 : i32
        %add3A_347 = arith.addi %add3A_346, %add3A_254 : i32
        %get3A_348 = arith.index_cast %add3A_347 : i32 to index
        %get3A_349 = arith.index_cast %mul3A_40 : i32 to index
        %get3A_350 = tpu.vector_load %arg8[%get3A_348, %get3A_349] {strides = array<i32>} : memref<512x128xi32, #tpu.memory_space<vmem>>, vector<16xi32>,
        %or3A_351 = arith.ori %add3A_261, %get3A_350 : vector<16xi32>
        %gather3A_352 = tpu.vector_load_idx %arg13[%or3A_351] : memref<2048xf32, #tpu.memory_space<vmem>>[vector<16xi32>], vector<16xf32>,
        %add3A_353 = arith.addf %add3A_337, %gather3A_352 : vector<16xf32>
        %jit3A_354 = arith.constant 1.000000e+00 : f32
        %broadcast_in_dim3A_355 = vector.broadcast %jit3A_354 : f32 to vector<16xf32>
        %select_n3A_356 = arith.select %gt3A_59, %gather3A_352, %broadcast_in_dim3A_355 : vector<16xi1>, vector<16xf32>
        %mul3A_357 = arith.mulf %mul3A_341, %select_n3A_356 : vector<16xf32>
        %jit3A_358 = arith.constant 1.000000e+00 : f32
        %broadcast_in_dim3A_359 = vector.broadcast %jit3A_358 : f32 to vector<16xf32>
        %select_n3A_360 = arith.select %gt3A_59, %add3A_353, %broadcast_in_dim3A_359 : vector<16xi1>, vector<16xf32>
        %mul3A_361 = arith.mulf %mul3A_345, %select_n3A_360 : vector<16xf32>
        %add3A_362 = arith.constant 112 : i32
        %add3A_363 = arith.addi %add3A_362, %add3A_254 : i32
        %get3A_364 = arith.index_cast %add3A_363 : i32 to index
        %get3A_365 = arith.index_cast %mul3A_40 : i32 to index
        %get3A_366 = tpu.vector_load %arg8[%get3A_364, %get3A_365] {strides = array<i32>} : memref<512x128xi32, #tpu.memory_space<vmem>>, vector<16xi32>,
        %or3A_367 = arith.ori %add3A_261, %get3A_366 : vector<16xi32>
        %gather3A_368 = tpu.vector_load_idx %arg13[%or3A_367] : memref<2048xf32, #tpu.memory_space<vmem>>[vector<16xi32>], vector<16xf32>,
        %add3A_369 = arith.addf %add3A_353, %gather3A_368 : vector<16xf32>
        %jit3A_370 = arith.constant 1.000000e+00 : f32
        %broadcast_in_dim3A_371 = vector.broadcast %jit3A_370 : f32 to vector<16xf32>
        %select_n3A_372 = arith.select %gt3A_52, %gather3A_368, %broadcast_in_dim3A_371 : vector<16xi1>, vector<16xf32>
        %mul3A_373 = arith.mulf %mul3A_357, %select_n3A_372 : vector<16xf32>
        %jit3A_374 = arith.constant 1.000000e+00 : f32
        %broadcast_in_dim3A_375 = vector.broadcast %jit3A_374 : f32 to vector<16xf32>
        %select_n3A_376 = arith.select %gt3A_52, %add3A_369, %broadcast_in_dim3A_375 : vector<16xi1>, vector<16xf32>
        %mul3A_377 = arith.mulf %mul3A_361, %select_n3A_376 : vector<16xf32>
        %add3A_378 = arith.constant 56 : i32
        %add3A_379 = arith.addi %add3A_378, %add3A_254 : i32
        %get3A_380 = arith.index_cast %add3A_379 : i32 to index
        %get3A_381 = arith.index_cast %mul3A_40 : i32 to index
        %get3A_382 = tpu.vector_load %arg8[%get3A_380, %get3A_381] {strides = array<i32>} : memref<512x128xi32, #tpu.memory_space<vmem>>, vector<16xi32>,
        %or3A_383 = arith.ori %add3A_261, %get3A_382 : vector<16xi32>
        %gather3A_384 = tpu.vector_load_idx %arg13[%or3A_383] : memref<2048xf32, #tpu.memory_space<vmem>>[vector<16xi32>], vector<16xf32>,
        %add3A_385 = arith.addf %add3A_369, %gather3A_384 : vector<16xf32>
        %jit3A_386 = arith.constant 1.000000e+00 : f32
        %broadcast_in_dim3A_387 = vector.broadcast %jit3A_386 : f32 to vector<16xf32>
        %select_n3A_388 = arith.select %gt3A_45, %gather3A_384, %broadcast_in_dim3A_387 : vector<16xi1>, vector<16xf32>
        %mul3A_389 = arith.mulf %mul3A_373, %select_n3A_388 : vector<16xf32>
        %jit3A_390 = arith.constant 1.000000e+00 : f32
        %broadcast_in_dim3A_391 = vector.broadcast %jit3A_390 : f32 to vector<16xf32>
        %select_n3A_392 = arith.select %gt3A_45, %add3A_385, %broadcast_in_dim3A_391 : vector<16xi1>, vector<16xf32>
        %mul3A_393 = arith.mulf %mul3A_377, %select_n3A_392 : vector<16xf32>
        %div3A_394 = arith.divf %mul3A_389, %mul3A_393 : vector<16xf32>
        %mul3A_395 = arith.mulf %mul3A_329, %div3A_394 : vector<16xf32>
        %gt3A_396 = arith.constant 0.000000e+00 : f32
        %gt3A_397 = vector.broadcast %gt3A_396 : f32 to vector<16xf32>
        %gt3A_398 = arith.cmpf ogt, %mul3A_395, %gt3A_397 : vector<16xf32>
        %jit3A_399 = arith.constant 0.000000e+00 : f32
        %broadcast_in_dim3A_400 = vector.broadcast %jit3A_399 : f32 to vector<16xf32>
        %select_n3A_401 = arith.select %gt3A_398, %mul3A_395, %broadcast_in_dim3A_400 : vector<16xi1>, vector<16xf32>
        %swap3A_402 = arith.index_cast %add3A_254 : i32 to index
        %swap3A_403 = arith.index_cast %mul3A_40 : i32 to index
        %swap3A_404 = tpu.vector_load %arg14[%swap3A_402, %swap3A_403] {strides = array<i32>} : memref<56x128xf32, #tpu.memory_space<vmem>>, vector<16xf32>,
        tpu.vector_store %arg14[%swap3A_402, %swap3A_403], %select_n3A_401 {strides = array<i32>} : memref<56x128xf32, #tpu.memory_space<vmem>>, vector<16xf32>,
      }
      %scan3A_104 = arith.constant 28 : i32
    }
    %scan3A_37 = arith.constant 8 : i32
    "tpu.region"() ({
      %run_scoped3A = tpu.sem_alloc : memref<!tpu.dma_semaphore, #tpu.memory_space<semaphore_mem>>
      %dma_start3A_38 = arith.constant 0 : i32
      %dma_start3A_39 = tpu.memref_slice %arg7[%dma_start3A_38, %mul3A_2] : memref<56x4096xf32, #tpu.memory_space<hbm>> -> memref<56x128xf32, #tpu.memory_space<hbm>>
      %dma_start3A_40 = arith.constant 0 : i32
      %dma_start3A_41 = tpu.memref_slice %arg7[%dma_start3A_40, %mul3A_2] : memref<56x4096xf32, #tpu.memory_space<hbm>> -> memref<56x128xf32, #tpu.memory_space<hbm>>
      tpu.enqueue_dma source(%arg14 : memref<56x128xf32, #tpu.memory_space<vmem>>) target(%dma_start3A_41 : memref<56x128xf32, #tpu.memory_space<hbm>>) target_semaphore(%run_scoped3A : memref<!tpu.dma_semaphore, #tpu.memory_space<semaphore_mem>>)
      %dma_wait3A_42 = arith.constant 0 : i32
      %dma_wait3A_43 = tpu.memref_slice %arg7[%dma_wait3A_42, %mul3A_2] : memref<56x4096xf32, #tpu.memory_space<hbm>> -> memref<56x128xf32, #tpu.memory_space<hbm>>
      %dma_wait3A_44 = arith.constant 0 : i32
      %dma_wait3A_45 = tpu.memref_slice %arg7[%dma_wait3A_44, %mul3A_2] : memref<56x4096xf32, #tpu.memory_space<hbm>> -> memref<56x128xf32, #tpu.memory_space<hbm>>
      tpu.wait_dma2 semaphore(%run_scoped3A : memref<!tpu.dma_semaphore, #tpu.memory_space<semaphore_mem>>) src(%arg14 : memref<56x128xf32, #tpu.memory_space<vmem>>) dst(%dma_wait3A_45 : memref<56x128xf32, #tpu.memory_space<hbm>>)
      tpu.yield
    }) : () -> ()
    return
  }
}

</mosaic_0001>

<sc_bundles>
// kernel: kernel.3.cloned.1.call-start
scs
__scs_entry_jumppad:
0x0: {  	(pc) =	sbr.rel $0x88, $3  }
0x1: {  	(tag) =	ssettag $0x0;
	lr =	simm.s32 $0x1  }
0x2: {  	[smem:$0x3F98] =	sst lr;
	_ =	strace $0xD0000000  }
0x3: {  	_ = 	snop  }
0x4: {  	_ = 	snop  }
0x5: {  	_ = 	snop  }
0x6: {  	_ = 	snop  }
0x7: {  	_ = 	snop  }
__scs_overlays_trampoline_lowered:
0x8: {  	[smem:$0x3FA7] =	sst s0  }
0x9: {  	[smem:$0x3FA8] =	sst s1  }
0xa: {  	[smem:$0x3FA9] =	sst s2  }
0xb: {  	[smem:$0x3FAA] =	sst s3  }
0xc: {  	[smem:$0x3FAB] =	sst s4  }
0xd: {  	[smem:$0x3FAC] =	sst s5  }
0xe: {  	[smem:$0x3FAD] =	sst s6  }
0xf: {  	[smem:$0x3FAE] =	sst s7  }
0x10: {  	[smem:$0x3FAF] =	sst s8  }
0x11: {  	[smem:$0x3FB0] =	sst s9;
	s0 =	simm.s32 @!p0 $0x0  }
0x12: {  	s1 =	sld [smem:$0x3F96];
	s0 =	simm.s32 @p0 $0x1  }
0x13: {  	[smem:$0x3FB1] =	sst s0;
	s0 =	simm.s32 @!p1 $0x0  }
0x14: {  	s2 =	sld [smem:$0x3F95];
	s0 =	simm.s32 @p1 $0x1  }
0x15: {  	[smem:$0x3FB2] =	sst s0;
	s0 =	simm.s32 @!p2 $0x0  }
0x16: {  	s3 =	sld [smem:$0x3FDB];
	s0 =	simm.s32 @p2 $0x1  }
0x17: {  	s4 =	simm.s32 $0x1BF5;
	[smem:$0x3FB4] =	sst s0  }
0x18: {  	s0 =	sld [smem:$0x3F97];
	_ =	swait.ge [sflag:s4], $0x0  }
0x19: {  	s7 =	sld [smem:$0x3F98]  }
0x1a: {  	s8 =	sadd.s32 $0xFFFFE003, lr  }
0x1b: {  	s9 =	sadd.s32 $0xFFFFFEF7, lr;
	s5 =	simm.s32 $0xFFFFFFFF;
	p2 =	slt.u32 s8, $0xFFFFF086  }
0x1c: {  	p1 =	slt.u32 s9, $0xF7A;
	s5 =	simm.s32 @!p2 $0x0  }
0x1d: {  	s5 =	simm.s32 @p1 $0x1;
	p0 =	seq.s32 s7, s2  }
0x1e: {  	s7 =	smul.u32 @!p0 $0xF7A, s2;
	p2 =	seq.s32 @!p0 s5, $0x0  }
0x1f: {  	s9 =	smul.u32 $0xF7A, s1;
	s8 =	simm.s32 @!p0 $0x1BF5;
	p2 =	por !p2, p0  }
0x20: {  	[sflag:s8] =	ssyncset.s32 @!p0 $0xFFFFF086;
	s6 =	sadd.s32 @!p0 s3, s7;
	s7 =	simm.s32 @!p0 $0x108  }
0x21: {  	s3 =	sadd.s32 s3, s9;
	s6 =	sadd.s32 @!p0 $0x88, s6;
	s7 =	simm.s32 @p2 $0x1082  }
0x22: {  	[simem:s7], [sflag:s8] =	dma.local @!p0 [hbm:s6], $0xF7A  }
0x23: {  	s9 =	sor.u32 $0xD0000000, s2;
	s6 =	simm.s32 $0x108;
	_ =	swait.ge @!p0 [sflag:s8], $0x0  }
0x24: {  	s3 =	sadd.s32 $0x88, s3;
	s6 =	simm.s32 @!p1 $0x1082;
	[sflag:s4] =	ssyncset.s32 $0xFFFFF086  }
0x25: {  	[simem:s6], [sflag:s4] =	dma.local [hbm:s3], $0xF7A  }
0x26: {  	[smem:$0x3F98] =	sst s1;
	(tag) =	ssettag s2;
	_ =	strace s9  }
0x27: {  	s1 =	sld [smem:$0x3FA8]  }
0x28: {  	s2 =	sld [smem:$0x3FA9]  }
0x29: {  	s4 =	sld [smem:$0x3FAB]  }
0x2a: {  	p0 =	seq.s32 s5, $0x0;
	s5 =	sld [smem:$0x3FAC]  }
0x2b: {  	s6 =	sld [smem:$0x3FAD]  }
0x2c: {  	s7 =	sld [smem:$0x3FAE]  }
0x2d: {  	s3 =	simm.s32 $0x108;
	s8 =	sld [smem:$0x3FAF]  }
0x2e: {  	s3 =	simm.s32 @!p0 $0x1082;
	s9 =	sld [smem:$0x3FB0]  }
0x2f: {  	lr =	sadd.s32 s0, s3;
	s0 =	sld [smem:$0x3FA7]  }
0x30: {  	s3 =	sld [smem:$0x3FAA]  }
0x31: {  	[smem:$0x3FB3] =	sst s10  }
0x32: {  	s10 =	sld [smem:$0x3FB1];
	_ =	sdelay $0x3  }
0x33: {  	p0 =	seq.s32 s10, $0x1;
	s10 =	sld [smem:$0x3FB3];
	_ =	sdelay $0x3  }
0x34: {  	[smem:$0x3FB3] =	sst s10  }
0x35: {  	s10 =	sld [smem:$0x3FB2];
	_ =	sdelay $0x3  }
0x36: {  	p1 =	seq.s32 s10, $0x1;
	s10 =	sld [smem:$0x3FB3];
	_ =	sdelay $0x3  }
0x37: {  	[smem:$0x3FB3] =	sst s10  }
0x38: {  	s10 =	sld [smem:$0x3FB4]  }
0x39: {  	_ = 	snop;
	(pc) =	sbr.ind lr, $3  }
0x3a: {  	_ = 	snop  }
0x3b: {  	_ = 	snop  }
0x3c: {  	p2 =	seq.s32 s10, $0x1;
	s10 =	sld [smem:$0x3FB3]  }
0x3d: {  	_ =	shalt  }
0x3e: {  	_ =	shalt  }
0x3f: {  	_ =	shalt  }
0x40: {  	_ =	shalt  }
0x41: {  	_ =	shalt  }
0x42: {  	_ =	shalt  }
0x43: {  	_ =	shalt  }
0x44: {  	_ =	shalt  }
0x45: {  	_ =	shalt  }
0x46: {  	_ =	shalt  }
0x47: {  	_ =	shalt  }
0x48: {  	_ =	shalt  }
0x49: {  	_ =	shalt  }
0x4a: {  	_ =	shalt  }
0x4b: {  	_ =	shalt  }
0x4c: {  	_ =	shalt  }
0x4d: {  	_ =	shalt  }
0x4e: {  	_ =	shalt  }
0x4f: {  	_ =	shalt  }
0x50: {  	_ =	shalt  }
0x51: {  	_ =	shalt  }
0x52: {  	_ =	shalt  }
0x53: {  	_ =	shalt  }
0x54: {  	_ =	shalt  }
0x55: {  	_ =	shalt  }
0x56: {  	_ =	shalt  }
0x57: {  	_ =	shalt  }
0x58: {  	_ =	shalt  }
0x59: {  	_ =	shalt  }
0x5a: {  	_ =	shalt  }
0x5b: {  	_ =	shalt  }
0x5c: {  	_ =	shalt  }
0x5d: {  	_ =	shalt  }
0x5e: {  	_ =	shalt  }
0x5f: {  	_ =	shalt  }
0x60: {  	_ =	shalt  }
0x61: {  	_ =	shalt  }
0x62: {  	_ =	shalt  }
0x63: {  	_ =	shalt  }
0x64: {  	_ =	shalt  }
0x65: {  	_ =	shalt  }
0x66: {  	_ =	shalt  }
0x67: {  	_ =	shalt  }
0x68: {  	_ =	shalt  }
0x69: {  	_ =	shalt  }
0x6a: {  	_ =	shalt  }
0x6b: {  	_ =	shalt  }
0x6c: {  	_ =	shalt  }
0x6d: {  	_ =	shalt  }
0x6e: {  	_ =	shalt  }
0x6f: {  	_ =	shalt  }
0x70: {  	_ =	shalt  }
0x71: {  	_ =	shalt  }
0x72: {  	_ =	shalt  }
0x73: {  	_ =	shalt  }
0x74: {  	_ =	shalt  }
0x75: {  	_ =	shalt  }
0x76: {  	_ =	shalt  }
0x77: {  	_ =	shalt  }
0x78: {  	_ =	shalt  }
0x79: {  	_ =	shalt  }
0x7a: {  	_ =	shalt  }
0x7b: {  	_ =	shalt  }
0x7c: {  	_ =	shalt  }
0x7d: {  	_ =	shalt  }
0x7e: {  	_ =	shalt  }
0x7f: {  	_ =	shalt  }
0x80: {  	_ =	shalt  }
0x81: {  	_ =	shalt  }
0x82: {  	_ =	shalt  }
0x83: {  	_ =	shalt  }
0x84: {  	_ =	shalt  }
0x85: {  	_ =	shalt  }
0x86: {  	_ =	shalt  }
0x87: {  	_ =	shalt  }
.Lfunc_end0:
.L_simem_size_0:
called_computation_lowered:
.L_overlay_start_0:
0x88: {  	s2 =	sld [smem:$0x3FD9]  }
0x89: {  	s3 =	sld [smem:$0x3FFE];
	_ =	sdelay $0x1  }
0x8a: {  	s1 =	srdreg.scid  }
0x8b: {  	s0 =	sand.u32 $0x1, s1  }
0x8c: {  	s17 =	sshll.u32 s0, $0xA;
	s2 =	sadd.s32 s3, s2  }
0x8d: {  	s2 =	sadd.s32 s2, s17  }
0x8e: {  	[smem:$0x3FBF] =	sst s2  }
0x8f: {  	_ = 	snop  }
0x90: {  	s2 =	sld [smem:$0x3FD0];
	(tm) =	ssettm $0x1  }
0x91: {  	s18 =	sld [smem:$0x3FFB];
	_ =	sdelay $0x3  }
0x92: {  	_ =	strace s18  }
0x93: {  	s3 =	sld [smem:$0x3FFC];
	_ =	sdelay $0x3  }
0x94: {  	_ =	strace s3  }
0x95: {  	s3 =	sld [smem:$0x3FFD];
	_ =	sdelay $0x3  }
0x96: {  	_ =	strace s3  }
0x97: {  	_ =	strace $0x8FFFFFFF  }
0x98: {  	s19 =	sld [smem:$0x3FDB];
	_ =	sdelay $0x1  }
0x99: {  	s4 =	simm.s32 $_scs_section_size  }
0x9a: {  	s5 =	simm.s32 $_size__tile_overlayer_lowered;
	s6 =	simm.s32 $_tile_overlayer_lowered  }
0x9b: {  	s22 =	simm.s32 $0x1BFF;
	s21 =	sshll.u32 s6, $0x1;
	s3 =	sadd.s32 s4, s19  }
0x9c: {  	s7 =	simm.s32 $0x0;
	s20 =	sshll.u32 s5, $0x1;
	s5 =	sadd.s32 s21, s3  }
0x9d: {  	[timem:s7], [sflag:s22] =	dma.local [hbm:s5], s20  }
0x9e: {  	_ =	swait.ge [sflag:s22], s20  }
0x9f: {  	s4 =	ssub.s32 $0x0, s20;
	[sflag:s22] =	ssyncset.done $0x0  }
0xa0: {  	[sflag:s22] =	ssyncadd.s32 s4;
	_ =	sdelay $0x1  }
0xa1: {  	s23 =	simm.s32 $0x1B8B  }
0xa2: {  	_ =	swait.ge [sflag:s23], $0x1  }
0xa3: {  	[sflag:s23] =	ssyncset.done $0x0  }
0xa4: {  	s25 =	simm.s32 $0x1B8E;
	s24 =	sld [smem:$0x3FFE];
	[sflag:s23] =	ssyncadd.s32 $0xFFFFFFFF  }
0xa5: {  	s26 =	simm.s32 $execute0_lowered;
	[smem:$0x3FD2] =	sst s25  }
0xa6: {  	s5 =	sshll.u32 s26, $0x1;
	_ =	strace $0x80000046;
	[dreg:$0x1] =	wrdreg $0xFFFFFFFF  }
0xa7: {  	s28 =	simm.s32 $_size_execute0_lowered;
	s3 =	sadd.s32 s3, s5;
	[dreg:$0x0] =	wrdreg $0x0  }
0xa8: {  	s5 =	sshll.u32 s28, $0x1;
	[dreg:$0x2] =	wrdreg s3  }
0xa9: {  	[dreg:$0x3] =	wrdreg s5  }
0xaa: {  	[dreg:$0x4] =	wrdreg $0xC0  }
0xab: {  	_ =	task [dreg:s7], $0x5FFFF  }
0xac: {  	[dreg:$0x1] =	wrdreg $0xFFFFFFFF  }
0xad: {  	[dreg:$0x0] =	wrdreg $0x60  }
0xae: {  	[dreg:$0x2] =	wrdreg s24  }
0xaf: {  	[dreg:$0x3] =	wrdreg s2  }
0xb0: {  	[dreg:$0x4] =	wrdreg $0x9  }
0xb1: {  	_ =	task.clear_ibuf [dreg:s7], $0x5FFFF;
	_ =	strace $0x90000046  }
0xb2: {  	s29 =	simm.s32 $0x9;
	_ =	strace $0x80000048  }
0xb3: {  	_ =	swait.ge [sflag:s29], $0x1  }
0xb4: {  	[sflag:s29] =	ssyncadd.s32 $0xFFFFFFFF  }
0xb5: {  	_ =	strace $0x90000048  }
0xb6: {  	_ =	sfence  }
0xb7: {  	s30 =	sld [smem:$0x0];
	_ =	sdelay $0x2  }
0xb8: {  	s31 =	sshll.u32 s1, $0xD;
	s1 =	sshrl.u32 s1, $0x2  }
0xb9: {  	s3 =	sand.u32 $0x4000, s31;
	s1 =	sadd.s32 s1, s30  }
0xba: {  	s0 =	sor.u32 s3, s0;
	s1 =	sshll.u32 s1, $0x11  }
0xbb: {  	s0 =	sor.u32 s1, s0  }
0xbc: {  	s0 =	sadd.s32 $0x8F2B, s0  }
0xbd: {  	[sflag:s0] =	ssyncadd.remote.s32 $0x1  }
0xbe: {  	_ =	sfence.sel $0xFFFF  }
0xbf: {  	[dreg:$0x0] =	wrdreg $0xFFFFFFFF;
	(pc) =	sbr.abs _section_cstart, $3  }
0xc0: {  	[dreg:$0x1] =	wrdreg $0xFFFFFFFF  }
0xc1: {  	_ =	task.clear_ibuf [dreg:s7], $0x2FFFF;
	_ =	strace $0x9FFFFFFF  }
0xc2: {  	(tm) =	ssettm $0x7FFFFFFF  }
0xc3: {  	_ =	shalt  }
tec
execute0_lowered:
.L_overlay_start_1:
0x0: {  	(tag) =	ssettag $0x1  }
0x1: {  	v0 =	vimm.f32 $1.000000000e+00;
	vm0 =	vcmask $0x1300;
	vm14 =	vcmask $0x2718  }
0x2: {  	vm15 =	vcmask $0x3B2C;
	v38 =	vimm.s32 $0x8;
	v40 =	vimm.s32 $0x9  }
0x3: {  	v41 =	vimm.s32 $0xA;
	v42 =	vimm.s32 $0xB;
	v17 =	vimm.s32 $0x2B  }
0x4: {  	v18 =	vimm.s32 $0x2C;
	v19 =	vimm.s32 $0x2D;
	v20 =	vimm.s32 $0x2E  }
0x5: {  	v22 =	vimm.s32 $0x2F;
	v23 =	vimm.s32 $0x30;
	v43 =	vimm.s32 $0x31  }
0x6: {  	v44 =	vimm.s32 $0x32;
	v45 =	vimm.s32 $0x33;
	v46 =	vimm.s32 $0x34  }
0x7: {  	s1 =	srdreg.scid;
	v47 =	vimm.s32 $0x35;
	v49 =	vimm.s32 $0x36;
	v50 =	vimm.s32 $0x37  }
0x8: {  	s0 =	stileid.u32;
	s5 =	rddreg [dreg:$0x0];
	v51 =	vimm.s32 $0x38;
	v52 =	vimm.s32 $0x39;
	v53 =	vimm.s32 $0x3A  }
0x9: {  	s7 =	rddreg [dreg:$0x1];
	s2 =	simm.s32 $0x0;
	s11 =	simm.s32 $0x12AE0;
	v54 =	vimm.s32 $0x3B;
	v55 =	vimm.s32 $0x3C;
	v56 =	vimm.s32 $0x3D  }
0xa: {  	s12 =	simm.s32 $0x1;
	s13 =	simm.s32 $0x80;
	s14 =	simm.s32 $0x1000;
	v58 =	vimm.s32 $0x3E;
	v59 =	vimm.s32 $0x3F;
	v60 =	vimm.s32 $0x40  }
0xb: {  	s15 =	simm.s32 $0x10000;
	s16 =	simm.s32 $0x2;
	s17 =	simm.s32 $0x10100;
	v61 =	vimm.s32 $0x41;
	v62 =	vimm.s32 $0x42;
	v63 =	vimm.s32 $0x43  }
0xc: {  	s18 =	simm.s32 $0x10200;
	s19 =	simm.s32 $0x10680;
	s20 =	simm.s32 $0x106E0;
	v3 =	vimm.s32 $0x44;
	v4 =	vimm.s32 $0x45;
	v5 =	vimm.s32 $0x46  }
0xd: {  	s21 =	simm.s32 $0x10EE0;
	v7 =	vimm.s32 $0x47;
	v8 =	vimm.s32 $0x48;
	v9 =	vimm.s32 $0x49;
	s3 =	sand.u32 $0x1, s1;
	s1 =	rddreg [dreg:$0x2]  }
0xe: {  	s22 =	simm.s32 $0x0;
	v10 =	vimm.s32 $0x4A;
	v11 =	vimm.s32 $0x4B;
	s31 =	sshll.u32 s0, $0x1;
	v1 =	vsel vm0, $0x0, v0;
	[smem:$0x7FF] =	sst s2  }
0xf: {  	v13 =	vimm.s32 $0x4C;
	s4 =	sor.u32 s3, s31;
	v2 =	vsel vm14, $0x0, v1;
	v1 =	vlaneseq.u32;
	_ =	strace $0x80000047;
	s6 =	ssub.s32 $0x2, s3  }
0x10: {  	v14 =	vimm.s32 $0x4D;
	v15 =	vimm.s32 $0x4E;
	s3 =	sadd.s32 $0xC00, s5;
	v6 =	vmul.u32 $0x10, v1;
	s8 =	sshll.u32 s4, $0x4;
	s9 =	sshrl.u32 s6, $0x1  }
0x11: {  	v16 =	vimm.s32 $0x4F;
	v0 =	vmov s4;
	v2 =	vsel vm15, $0x0, v2;
	s4 =	sadd.s32 $0x3FC00, s5;
	s10 =	sadd.s32 s8, s5;
	s9 =	ssub.s32 s6, s9  }
0x12: {  	s7 =	sadd.s32 s7, s8;
	v12 =	vor.u32 $0x1, v6;
	v21 =	vor.u32 $0x2, v6;
	v30 =	vor.u32 $0x3, v6;
	s5 =	sadd.s32 $0x400, s10;
	s6 =	sadd.s32 $0x800, s10  }
0x13: {  	v39 =	vor.u32 $0x6, v6;
	v48 =	vor.u32 $0x7, v6;
	v57 =	vor.u32 $0x9, v6;
	s8 =	sadd.s32 $0x3FE00, s10;
	s9 =	smax.u32 s9, $0x1;
	s10 =	simm.s32 $0x200  }
.LBB2_1:
0x14: {  	v24 =	vor.u32 s2, v1  }
0x15: {  	vm0 =	vlt.s32 v24, $0x1F7  }
0x16: {  	v24 =	vnsel vm0, $0x1F7, v24  }
0x17: {  	v24 =	vshll.u32 v24, $0x5  }
0x18: {  	v24 =	vor.u32 v0, v24  }
0x19: {  	s23 =	simm.s32 $0x10;
	s24 =	simm.s32 $0x12AE0;
	[tilespmem:s11+$0x0] =	vst v24  }
.LBB2_2:
0x1a: {  	v24 =	vor.u32 s23, v1;
	p0 =	sne.s32 s23, $0x1F0;
	s23 =	sadd.s32 $0x10, s23  }
.Ltmp0:
0x1b: {  	vm0 =	vlt.s32 v24, $0x1F7;
	(pc) =	sbr.rel @p0 .LBB2_2-.Ltmp0, $4  }
0x1c: {  	v24 =	vnsel vm0, $0x1F7, v24  }
0x1d: {  	v24 =	vshll.u32 v24, $0x5  }
0x1e: {  	s24 =	sadd.s32 $0x10, s24;
	v24 =	vor.u32 v0, v24  }
0x1f: {  	[tilespmem:s24+$0x0] =	vst v24  }
0x20: {  	s23 =	simm.s32 $0x0  }
0x21: {  	[tilespmem:s23], [sflag:$0x1] =	stream.indirect.gather [hbm4b:s3+s10], $0x80, s11, s10, $0xb8;
	[tilespmem:$0x12CE0] =	vst v63  }
0x22: {  	_ =	swait.ge [sflag:s12], $0x10000  }
0x23: {  	[sflag:s12] =	ssyncset.done $0x0  }
0x24: {  	[sflag:s12] =	ssyncadd.s32 $0xFFFF0000  }
0x25: {  	[tilespmem:s15], [sflag:$0x2] =	stream.strided.gather [hbm4b:s5+s13], $0x100, s14, s13, $0x38;
	[tilespmem:$0x12CE0] =	vst v63  }
0x26: {  	_ =	swait.ge [sflag:s16], $0x100  }
0x27: {  	[sflag:s16] =	ssyncset.done $0x0  }
0x28: {  	[sflag:s16] =	ssyncadd.s32 $0xFFFFFF00  }
0x29: {  	[tilespmem:s17], [sflag:$0x2] =	stream.strided.gather [hbm4b:s6+s13], $0x100, s14, s13, $0x38;
	[tilespmem:$0x12CE0] =	vst v63  }
0x2a: {  	_ =	swait.ge [sflag:s16], $0x100  }
0x2b: {  	[sflag:s16] =	ssyncset.done $0x0  }
0x2c: {  	[sflag:s16] =	ssyncadd.s32 $0xFFFFFF00  }
0x2d: {  	[tilespmem:s18], [sflag:$0x2] =	stream.strided.gather [hbm4b:s7+s13], $0x480, s14, s13, $0x38;
	[tilespmem:$0x12CE0] =	vst v63  }
0x2e: {  	_ =	swait.ge [sflag:s16], $0x480  }
0x2f: {  	[sflag:s16] =	ssyncset.done $0x0  }
0x30: {  	[sflag:s16] =	ssyncadd.s32 $0xFFFFFB80  }
0x31: {  	[tilespmem:s19], [sflag:$0x2] =	stream.linear.gather [hbm4b:s4+s23], $0x60, $0x38;
	[tilespmem:$0x12CE0] =	vst v63  }
0x32: {  	_ =	swait.ge [sflag:s16], $0x60  }
0x33: {  	s24 =	simm.s32 $0x10080;
	s25 =	simm.s32 $0x10180;
	[sflag:s16] =	ssyncset.done $0x0  }
0x34: {  	s26 =	simm.s32 $0x10760;
	s28 =	simm.s32 $0x0;
	[sflag:s16] =	ssyncadd.s32 $0xFFFFFFA0  }
.LBB2_4:
0x35: {  	v24 =	vld [tilespmem:s24+$0xFFFFFF80]  }
0x36: {  	v27 =	vld [tilespmem:s24+$0x0]  }
0x37: {  	v28 =	vld [tilespmem:s25+$0xFFFFFF80]  }
0x38: {  	v29 =	vld [tilespmem:s25+$0x0];
	[tilespmem:s26+$0xFFFFFF80] =	vst v2  }
0x39: {  	[tilespmem:s26+$0xFFFFFF90] =	vst v2  }
0x3a: {  	[tilespmem:s26+$0xFFFFFFA0] =	vst v2  }
0x3b: {  	[tilespmem:s26+$0xFFFFFFB0] =	vst v2  }
0x3c: {  	[tilespmem:s26+$0xFFFFFFC0] =	vst v2  }
0x3d: {  	[tilespmem:s26+$0xFFFFFFD0] =	vst v2  }
0x3e: {  	[tilespmem:s26+$0xFFFFFFE0] =	vst v2  }
0x3f: {  	[tilespmem:s26+$0xFFFFFFF0] =	vst v2  }
0x40: {  	[tilespmem:s26+$0x0] =	vst v2  }
0x41: {  	[tilespmem:s26+$0x10] =	vst v2  }
0x42: {  	[tilespmem:s26+$0x20] =	vst v2  }
0x43: {  	[tilespmem:s26+$0x30] =	vst v2  }
0x44: {  	[tilespmem:s26+$0x40] =	vst v2  }
0x45: {  	[tilespmem:s26+$0x50] =	vst v2;
	v36 =	vimm.s32 $0xD  }
0x46: {  	[tilespmem:s26+$0x60] =	vst v2;
	v37 =	vimm.s32 $0xE  }
0x47: {  	[tilespmem:s26+$0x70] =	vst v2;
	v25 =	vimm.s32 $0xC  }
0x48: {  	v31 =	vld.idx.msk [tilespmem:v38+s19+$0x0], $0xffff  }
0x49: {  	v32 =	vld.idx.msk [tilespmem:v40+s19+$0x0], $0xffff  }
0x4a: {  	v34 =	vld.idx.msk [tilespmem:v36+s19+$0x0], $0xffff  }
0x4b: {  	v36 =	vld.idx.msk [tilespmem:v37+s19+$0x0], $0xffff;
	v37 =	vimm.s32 $0xF  }
0x4c: {  	v33 =	vld.idx.msk [tilespmem:v25+s19+$0x0], $0xffff;
	_ =	sdelay $0x1  }
0x4d: {  	v35 =	vld.idx.msk [tilespmem:v41+s19+$0x0], $0xffff;
	v25 =	vmul.f32 v28, v24;
	v26 =	vmul.f32 v29, v24  }
0x4e: {  	v24 =	vmul.f32 v28, v27;
	v28 =	vld.idx.msk [tilespmem:v42+s19+$0x0], $0xffff  }
0x4f: {  	v31 =	vmul.f32 v31, v25;
	v32 =	vmul.f32 v32, v26;
	v37 =	vld.idx.msk [tilespmem:v37+s19+$0x0], $0xffff  }
0x50: {  	v33 =	vmul.f32 v33, v25;
	v34 =	vmul.f32 v34, v26  }
0x51: {  	v27 =	vmul.f32 v29, v27;
	v31 =	vadd.f32 v32, v31  }
0x52: {  	v32 =	vmul.f32 v35, v24;
	v36 =	vmul.f32 v36, v24;
	v29 =	vadd.f32 v34, v33  }
0x53: {  	v28 =	vmul.f32 v28, v27  }
0x54: {  	v31 =	vadd.f32 v32, v31;
	v29 =	vadd.f32 v36, v29;
	v37 =	vmul.f32 v37, v27;
	_ =	sdelay $0x1  }
0x55: {  	v28 =	vadd.f32 v28, v31;
	v29 =	vadd.f32 v37, v29;
	_ =	sdelay $0x1  }
0x56: {  	v28 =	vmul.f32 v28, v28;
	v29 =	vmul.f32 v29, v29;
	_ =	sdelay $0x1  }
0x57: {  	v28 =	vadd.f32 v29, v28;
	_ =	sdelay $0x1  }
0x58: {  	v29 =	vmax.f32 v28, $1.000000000e-30  }
0x59: {  	v31 =	vshrl.u32 v29, $0x1;
	v29 =	vmul.f32 $5.000000000e-01, v29  }
0x5a: {  	v31 =	vsub.s32 $0x5F3759DF, v31  }
0x5b: {  	v36 =	vmul.f32 v31, v29;
	_ =	sdelay $0x1  }
0x5c: {  	v32 =	vmul.f32 v31, v36;
	_ =	sdelay $0x1  }
0x5d: {  	v32 =	vsub.f32 $1.500000000e+00, v32;
	_ =	sdelay $0x1  }
0x5e: {  	v31 =	vmul.f32 v31, v32;
	_ =	sdelay $0x1  }
0x5f: {  	v32 =	vmul.f32 v31, v29;
	_ =	sdelay $0x1  }
0x60: {  	v32 =	vmul.f32 v32, v31;
	_ =	sdelay $0x1  }
0x61: {  	v32 =	vsub.f32 $1.500000000e+00, v32;
	_ =	sdelay $0x1  }
0x62: {  	v31 =	vmul.f32 v32, v31;
	_ =	sdelay $0x1  }
0x63: {  	v29 =	vmul.f32 v31, v29;
	_ =	sdelay $0x1  }
0x64: {  	v29 =	vmul.f32 v29, v31;
	_ =	sdelay $0x1  }
0x65: {  	v29 =	vsub.f32 $1.500000000e+00, v29;
	_ =	sdelay $0x1  }
0x66: {  	v29 =	vmul.f32 v29, v31;
	_ =	sdelay $0x1  }
0x67: {  	v28 =	vmul.f32 v29, v28;
	_ =	sdelay $0x1  }
0x68: {  	v28 =	vmul.f32 $-1.000000000e+01, v28;
	_ =	sdelay $0x1  }
0x69: {  	v28 =	vmul.f32 $1.442695020e+00, v28;
	_ =	sdelay $0x1  }
0x6a: {  	(erf) = vpow2.f32 v28;
	_ =	sdelay $0x4  }
0x6b: {  	v28 =	vor.u32 s28, v12  }
0x6c: {  	v36 =	vimm.s32 $0x12;
	_ =	sdelay $0x1  }
0x6d: {  	v37 =	vimm.s32 $0x15  }
0x6e: {  	v31 =	vimm.s32 $0x14;
	v29 =	vpop (erf)  }
0x6f: {  	[tilespmem:v28+s20+$0x0] =	vst.idx.msk $0xffff, v29;
	v28 =	vimm.s32 $0x10  }
0x70: {  	v33 =	vld.idx.msk [tilespmem:v36+s19+$0x0], $0xffff;
	v36 =	vimm.s32 $0x13  }
0x71: {  	v29 =	vimm.s32 $0x11  }
0x72: {  	v32 =	vld.idx.msk [tilespmem:v37+s19+$0x0], $0xffff;
	v37 =	vimm.s32 $0x16  }
0x73: {  	v31 =	vld.idx.msk [tilespmem:v31+s19+$0x0], $0xffff  }
0x74: {  	v28 =	vld.idx.msk [tilespmem:v28+s19+$0x0], $0xffff  }
0x75: {  	v35 =	vld.idx.msk [tilespmem:v36+s19+$0x0], $0xffff;
	v36 =	vimm.s32 $0x17  }
0x76: {  	v29 =	vld.idx.msk [tilespmem:v29+s19+$0x0], $0xffff  }
0x77: {  	v34 =	vld.idx.msk [tilespmem:v37+s19+$0x0], $0xffff;
	_ =	sdelay $0x2  }
0x78: {  	v31 =	vmul.f32 v31, v25;
	v32 =	vmul.f32 v32, v26;
	v36 =	vld.idx.msk [tilespmem:v36+s19+$0x0], $0xffff  }
0x79: {  	v28 =	vmul.f32 v28, v25;
	v29 =	vmul.f32 v29, v26  }
0x7a: {  	v31 =	vadd.f32 v32, v31;
	v37 =	vmul.f32 v34, v24  }
0x7b: {  	v28 =	vadd.f32 v29, v28;
	v29 =	vmul.f32 v33, v24  }
0x7c: {  	v31 =	vadd.f32 v37, v31  }
0x7d: {  	v28 =	vadd.f32 v29, v28;
	v29 =	vmul.f32 v35, v27;
	v37 =	vmul.f32 v36, v27;
	_ =	sdelay $0x1  }
0x7e: {  	v28 =	vadd.f32 v29, v28;
	v29 =	vadd.f32 v37, v31;
	_ =	sdelay $0x1  }
0x7f: {  	v28 =	vmul.f32 v28, v28;
	v29 =	vmul.f32 v29, v29;
	_ =	sdelay $0x1  }
0x80: {  	v28 =	vadd.f32 v29, v28;
	_ =	sdelay $0x1  }
0x81: {  	v29 =	vmax.f32 v28, $1.000000000e-30  }
0x82: {  	v31 =	vshrl.u32 v29, $0x1;
	v29 =	vmul.f32 $5.000000000e-01, v29  }
0x83: {  	v31 =	vsub.s32 $0x5F3759DF, v31  }
0x84: {  	v36 =	vmul.f32 v31, v29;
	_ =	sdelay $0x1  }
0x85: {  	v32 =	vmul.f32 v31, v36;
	_ =	sdelay $0x1  }
0x86: {  	v32 =	vsub.f32 $1.500000000e+00, v32;
	_ =	sdelay $0x1  }
0x87: {  	v31 =	vmul.f32 v31, v32;
	_ =	sdelay $0x1  }
0x88: {  	v32 =	vmul.f32 v31, v29;
	_ =	sdelay $0x1  }
0x89: {  	v32 =	vmul.f32 v32, v31;
	_ =	sdelay $0x1  }
0x8a: {  	v32 =	vsub.f32 $1.500000000e+00, v32;
	_ =	sdelay $0x1  }
0x8b: {  	v31 =	vmul.f32 v32, v31;
	_ =	sdelay $0x1  }
0x8c: {  	v29 =	vmul.f32 v31, v29;
	_ =	sdelay $0x1  }
0x8d: {  	v29 =	vmul.f32 v29, v31;
	_ =	sdelay $0x1  }
0x8e: {  	v29 =	vsub.f32 $1.500000000e+00, v29;
	_ =	sdelay $0x1  }
0x8f: {  	v29 =	vmul.f32 v29, v31;
	_ =	sdelay $0x1  }
0x90: {  	v28 =	vmul.f32 v29, v28;
	_ =	sdelay $0x1  }
0x91: {  	v28 =	vmul.f32 $-1.000000000e+01, v28;
	_ =	sdelay $0x1  }
0x92: {  	v28 =	vmul.f32 $1.442695020e+00, v28;
	_ =	sdelay $0x1  }
0x93: {  	(erf) = vpow2.f32 v28;
	_ =	sdelay $0x4  }
0x94: {  	v28 =	vor.u32 s28, v21  }
0x95: {  	v36 =	vimm.s32 $0x1A;
	_ =	sdelay $0x1  }
0x96: {  	v37 =	vimm.s32 $0x1D  }
0x97: {  	v31 =	vimm.s32 $0x1C;
	v29 =	vpop (erf)  }
0x98: {  	[tilespmem:v28+s20+$0x0] =	vst.idx.msk $0xffff, v29;
	v28 =	vimm.s32 $0x18  }
0x99: {  	v33 =	vld.idx.msk [tilespmem:v36+s19+$0x0], $0xffff;
	v36 =	vimm.s32 $0x1B  }
0x9a: {  	v29 =	vimm.s32 $0x19  }
0x9b: {  	v32 =	vld.idx.msk [tilespmem:v37+s19+$0x0], $0xffff;
	v37 =	vimm.s32 $0x1E  }
0x9c: {  	v31 =	vld.idx.msk [tilespmem:v31+s19+$0x0], $0xffff  }
0x9d: {  	v28 =	vld.idx.msk [tilespmem:v28+s19+$0x0], $0xffff  }
0x9e: {  	v35 =	vld.idx.msk [tilespmem:v36+s19+$0x0], $0xffff;
	v36 =	vimm.s32 $0x1F  }
0x9f: {  	v29 =	vld.idx.msk [tilespmem:v29+s19+$0x0], $0xffff  }
0xa0: {  	v34 =	vld.idx.msk [tilespmem:v37+s19+$0x0], $0xffff;
	_ =	sdelay $0x2  }
0xa1: {  	v31 =	vmul.f32 v31, v25;
	v32 =	vmul.f32 v32, v26;
	v36 =	vld.idx.msk [tilespmem:v36+s19+$0x0], $0xffff  }
0xa2: {  	v28 =	vmul.f32 v28, v25;
	v29 =	vmul.f32 v29, v26  }
0xa3: {  	v31 =	vadd.f32 v32, v31;
	v37 =	vmul.f32 v34, v24  }
0xa4: {  	v28 =	vadd.f32 v29, v28;
	v29 =	vmul.f32 v33, v24  }
0xa5: {  	v31 =	vadd.f32 v37, v31  }
0xa6: {  	v28 =	vadd.f32 v29, v28;
	v29 =	vmul.f32 v35, v27;
	v37 =	vmul.f32 v36, v27;
	_ =	sdelay $0x1  }
0xa7: {  	v28 =	vadd.f32 v29, v28;
	v29 =	vadd.f32 v37, v31;
	_ =	sdelay $0x1  }
0xa8: {  	v28 =	vmul.f32 v28, v28;
	v29 =	vmul.f32 v29, v29;
	_ =	sdelay $0x1  }
0xa9: {  	v28 =	vadd.f32 v29, v28;
	_ =	sdelay $0x1  }
0xaa: {  	v29 =	vmax.f32 v28, $1.000000000e-30  }
0xab: {  	v31 =	vshrl.u32 v29, $0x1;
	v29 =	vmul.f32 $5.000000000e-01, v29  }
0xac: {  	v31 =	vsub.s32 $0x5F3759DF, v31  }
0xad: {  	v36 =	vmul.f32 v31, v29;
	_ =	sdelay $0x1  }
0xae: {  	v32 =	vmul.f32 v31, v36;
	_ =	sdelay $0x1  }
0xaf: {  	v32 =	vsub.f32 $1.500000000e+00, v32;
	_ =	sdelay $0x1  }
0xb0: {  	v31 =	vmul.f32 v31, v32;
	_ =	sdelay $0x1  }
0xb1: {  	v32 =	vmul.f32 v31, v29;
	_ =	sdelay $0x1  }
0xb2: {  	v32 =	vmul.f32 v32, v31;
	_ =	sdelay $0x1  }
0xb3: {  	v32 =	vsub.f32 $1.500000000e+00, v32;
	_ =	sdelay $0x1  }
0xb4: {  	v31 =	vmul.f32 v32, v31;
	_ =	sdelay $0x1  }
0xb5: {  	v29 =	vmul.f32 v31, v29;
	_ =	sdelay $0x1  }
0xb6: {  	v29 =	vmul.f32 v29, v31;
	_ =	sdelay $0x1  }
0xb7: {  	v29 =	vsub.f32 $1.500000000e+00, v29;
	_ =	sdelay $0x1  }
0xb8: {  	v29 =	vmul.f32 v29, v31;
	_ =	sdelay $0x1  }
0xb9: {  	v28 =	vmul.f32 v29, v28;
	_ =	sdelay $0x1  }
0xba: {  	v28 =	vmul.f32 $-1.000000000e+01, v28;
	_ =	sdelay $0x1  }
0xbb: {  	v28 =	vmul.f32 $1.442695020e+00, v28;
	_ =	sdelay $0x1  }
0xbc: {  	(erf) = vpow2.f32 v28;
	_ =	sdelay $0x4  }
0xbd: {  	v28 =	vor.u32 s28, v30  }
0xbe: {  	v36 =	vimm.s32 $0x22;
	_ =	sdelay $0x1  }
0xbf: {  	v37 =	vimm.s32 $0x25  }
0xc0: {  	v31 =	vimm.s32 $0x24;
	v29 =	vpop (erf)  }
0xc1: {  	[tilespmem:v28+s20+$0x0] =	vst.idx.msk $0xffff, v29;
	v28 =	vimm.s32 $0x20  }
0xc2: {  	v33 =	vld.idx.msk [tilespmem:v36+s19+$0x0], $0xffff;
	v36 =	vimm.s32 $0x23  }
0xc3: {  	v29 =	vimm.s32 $0x21  }
0xc4: {  	v32 =	vld.idx.msk [tilespmem:v37+s19+$0x0], $0xffff;
	v37 =	vimm.s32 $0x26  }
0xc5: {  	v31 =	vld.idx.msk [tilespmem:v31+s19+$0x0], $0xffff  }
0xc6: {  	v28 =	vld.idx.msk [tilespmem:v28+s19+$0x0], $0xffff  }
0xc7: {  	v35 =	vld.idx.msk [tilespmem:v36+s19+$0x0], $0xffff;
	v36 =	vimm.s32 $0x27  }
0xc8: {  	v29 =	vld.idx.msk [tilespmem:v29+s19+$0x0], $0xffff  }
0xc9: {  	v34 =	vld.idx.msk [tilespmem:v37+s19+$0x0], $0xffff;
	_ =	sdelay $0x2  }
0xca: {  	v31 =	vmul.f32 v31, v25;
	v32 =	vmul.f32 v32, v26;
	v36 =	vld.idx.msk [tilespmem:v36+s19+$0x0], $0xffff  }
0xcb: {  	v28 =	vmul.f32 v28, v25;
	v29 =	vmul.f32 v29, v26  }
0xcc: {  	v31 =	vadd.f32 v32, v31;
	v37 =	vmul.f32 v34, v24  }
0xcd: {  	v28 =	vadd.f32 v29, v28;
	v29 =	vmul.f32 v33, v24  }
0xce: {  	v31 =	vadd.f32 v37, v31  }
0xcf: {  	v28 =	vadd.f32 v29, v28;
	v29 =	vmul.f32 v35, v27;
	v36 =	vmul.f32 v36, v27;
	_ =	sdelay $0x1  }
0xd0: {  	v28 =	vadd.f32 v29, v28;
	v29 =	vadd.f32 v36, v31;
	_ =	sdelay $0x1  }
0xd1: {  	v28 =	vmul.f32 v28, v28;
	v29 =	vmul.f32 v29, v29;
	_ =	sdelay $0x1  }
0xd2: {  	v28 =	vadd.f32 v29, v28;
	_ =	sdelay $0x1  }
0xd3: {  	v29 =	vmax.f32 v28, $1.000000000e-30  }
0xd4: {  	v31 =	vshrl.u32 v29, $0x1;
	v29 =	vmul.f32 $5.000000000e-01, v29  }
0xd5: {  	v31 =	vsub.s32 $0x5F3759DF, v31  }
0xd6: {  	v37 =	vmul.f32 v31, v29;
	_ =	sdelay $0x1  }
0xd7: {  	v32 =	vmul.f32 v31, v37;
	_ =	sdelay $0x1  }
0xd8: {  	v32 =	vsub.f32 $1.500000000e+00, v32;
	_ =	sdelay $0x1  }
0xd9: {  	v31 =	vmul.f32 v31, v32;
	_ =	sdelay $0x1  }
0xda: {  	v32 =	vmul.f32 v31, v29;
	_ =	sdelay $0x1  }
0xdb: {  	v32 =	vmul.f32 v32, v31;
	_ =	sdelay $0x1  }
0xdc: {  	v32 =	vsub.f32 $1.500000000e+00, v32;
	_ =	sdelay $0x1  }
0xdd: {  	v31 =	vmul.f32 v32, v31;
	_ =	sdelay $0x1  }
0xde: {  	v29 =	vmul.f32 v31, v29;
	_ =	sdelay $0x1  }
0xdf: {  	v29 =	vmul.f32 v29, v31;
	_ =	sdelay $0x1  }
0xe0: {  	v29 =	vsub.f32 $1.500000000e+00, v29;
	_ =	sdelay $0x1  }
0xe1: {  	v29 =	vmul.f32 v29, v31;
	_ =	sdelay $0x1  }
0xe2: {  	v28 =	vmul.f32 v29, v28;
	_ =	sdelay $0x1  }
0xe3: {  	v28 =	vmul.f32 $-1.000000000e+01, v28;
	_ =	sdelay $0x1  }
0xe4: {  	v28 =	vmul.f32 $1.442695020e+00, v28;
	_ =	sdelay $0x1  }
0xe5: {  	(erf) = vpow2.f32 v28;
	_ =	sdelay $0x4  }
0xe6: {  	v28 =	vor.u32 s28, v39;
	_ =	sdelay $0x3  }
0xe7: {  	v29 =	vpop (erf)  }
0xe8: {  	[tilespmem:v28+s20+$0x0] =	vst.idx.msk $0xffff, v29;
	v28 =	vimm.s32 $0x28  }
0xe9: {  	v29 =	vimm.s32 $0x29;
	_ =	sdelay $0x1  }
0xea: {  	v36 =	vimm.s32 $0x2A;
	v31 =	vld.idx.msk [tilespmem:v18+s19+$0x0], $0xffff  }
0xeb: {  	v32 =	vld.idx.msk [tilespmem:v19+s19+$0x0], $0xffff  }
0xec: {  	v28 =	vld.idx.msk [tilespmem:v28+s19+$0x0], $0xffff  }
0xed: {  	v29 =	vld.idx.msk [tilespmem:v29+s19+$0x0], $0xffff  }
0xee: {  	v34 =	vld.idx.msk [tilespmem:v20+s19+$0x0], $0xffff  }
0xef: {  	v33 =	vld.idx.msk [tilespmem:v36+s19+$0x0], $0xffff  }
0xf0: {  	v35 =	vld.idx.msk [tilespmem:v17+s19+$0x0], $0xffff  }
0xf1: {  	v36 =	vld.idx.msk [tilespmem:v22+s19+$0x0], $0xffff;
	v31 =	vmul.f32 v31, v25;
	v32 =	vmul.f32 v32, v26  }
0xf2: {  	v28 =	vmul.f32 v28, v25;
	v29 =	vmul.f32 v29, v26  }
0xf3: {  	v37 =	vmul.f32 v34, v24;
	v31 =	vadd.f32 v32, v31  }
0xf4: {  	v28 =	vadd.f32 v29, v28;
	v29 =	vmul.f32 v33, v24  }
0xf5: {  	v31 =	vadd.f32 v37, v31  }
0xf6: {  	v37 =	vmul.f32 v36, v27;
	v28 =	vadd.f32 v29, v28;
	v29 =	vmul.f32 v35, v27;
	_ =	sdelay $0x1  }
0xf7: {  	v28 =	vadd.f32 v29, v28;
	v29 =	vadd.f32 v37, v31;
	_ =	sdelay $0x1  }
0xf8: {  	v28 =	vmul.f32 v28, v28;
	v29 =	vmul.f32 v29, v29;
	_ =	sdelay $0x1  }
0xf9: {  	v28 =	vadd.f32 v29, v28;
	_ =	sdelay $0x1  }
0xfa: {  	v29 =	vmax.f32 v28, $1.000000000e-30  }
0xfb: {  	v31 =	vshrl.u32 v29, $0x1;
	v29 =	vmul.f32 $5.000000000e-01, v29  }
0xfc: {  	v31 =	vsub.s32 $0x5F3759DF, v31  }
0xfd: {  	v36 =	vmul.f32 v31, v29;
	_ =	sdelay $0x1  }
0xfe: {  	v32 =	vmul.f32 v31, v36;
	_ =	sdelay $0x1  }
0xff: {  	v32 =	vsub.f32 $1.500000000e+00, v32;
	_ =	sdelay $0x1  }
0x100: {  	v31 =	vmul.f32 v31, v32;
	_ =	sdelay $0x1  }
0x101: {  	v32 =	vmul.f32 v31, v29;
	_ =	sdelay $0x1  }
0x102: {  	v32 =	vmul.f32 v32, v31;
	_ =	sdelay $0x1  }
0x103: {  	v32 =	vsub.f32 $1.500000000e+00, v32;
	_ =	sdelay $0x1  }
0x104: {  	v31 =	vmul.f32 v32, v31;
	_ =	sdelay $0x1  }
0x105: {  	v29 =	vmul.f32 v31, v29;
	_ =	sdelay $0x1  }
0x106: {  	v29 =	vmul.f32 v29, v31;
	_ =	sdelay $0x1  }
0x107: {  	v29 =	vsub.f32 $1.500000000e+00, v29;
	_ =	sdelay $0x1  }
0x108: {  	v29 =	vmul.f32 v29, v31;
	_ =	sdelay $0x1  }
0x109: {  	v28 =	vmul.f32 v29, v28;
	_ =	sdelay $0x1  }
0x10a: {  	v28 =	vmul.f32 $-1.000000000e+01, v28;
	_ =	sdelay $0x1  }
0x10b: {  	v28 =	vmul.f32 $1.442695020e+00, v28;
	_ =	sdelay $0x1  }
0x10c: {  	(erf) = vpow2.f32 v28;
	_ =	sdelay $0x4  }
0x10d: {  	v28 =	vor.u32 s28, v48;
	_ =	sdelay $0x3  }
0x10e: {  	v29 =	vpop (erf)  }
0x10f: {  	[tilespmem:v28+s20+$0x0] =	vst.idx.msk $0xffff, v29  }
0x110: {  	v28 =	vld.idx.msk [tilespmem:v23+s19+$0x0], $0xffff  }
0x111: {  	v29 =	vld.idx.msk [tilespmem:v43+s19+$0x0], $0xffff  }
0x112: {  	v31 =	vld.idx.msk [tilespmem:v46+s19+$0x0], $0xffff  }
0x113: {  	v32 =	vld.idx.msk [tilespmem:v47+s19+$0x0], $0xffff  }
0x114: {  	v33 =	vld.idx.msk [tilespmem:v44+s19+$0x0], $0xffff  }
0x115: {  	v34 =	vld.idx.msk [tilespmem:v49+s19+$0x0], $0xffff  }
0x116: {  	v35 =	vld.idx.msk [tilespmem:v45+s19+$0x0], $0xffff  }
0x117: {  	v36 =	vld.idx.msk [tilespmem:v50+s19+$0x0], $0xffff;
	v28 =	vmul.f32 v28, v25;
	v29 =	vmul.f32 v29, v26  }
0x118: {  	v31 =	vmul.f32 v31, v25;
	v32 =	vmul.f32 v32, v26  }
0x119: {  	v28 =	vadd.f32 v29, v28;
	v29 =	vmul.f32 v33, v24  }
0x11a: {  	v37 =	vmul.f32 v34, v24;
	v31 =	vadd.f32 v32, v31  }
0x11b: {  	v28 =	vadd.f32 v29, v28  }
0x11c: {  	v29 =	vmul.f32 v35, v27;
	v31 =	vadd.f32 v37, v31;
	v37 =	vmul.f32 v36, v27;
	_ =	sdelay $0x1  }
0x11d: {  	v28 =	vadd.f32 v29, v28;
	v29 =	vadd.f32 v37, v31;
	_ =	sdelay $0x1  }
0x11e: {  	v28 =	vmul.f32 v28, v28;
	v29 =	vmul.f32 v29, v29;
	_ =	sdelay $0x1  }
0x11f: {  	v28 =	vadd.f32 v29, v28;
	_ =	sdelay $0x1  }
0x120: {  	v29 =	vmax.f32 v28, $1.000000000e-30  }
0x121: {  	v31 =	vshrl.u32 v29, $0x1;
	v29 =	vmul.f32 $5.000000000e-01, v29  }
0x122: {  	v31 =	vsub.s32 $0x5F3759DF, v31  }
0x123: {  	v36 =	vmul.f32 v31, v29;
	_ =	sdelay $0x1  }
0x124: {  	v32 =	vmul.f32 v31, v36;
	_ =	sdelay $0x1  }
0x125: {  	v32 =	vsub.f32 $1.500000000e+00, v32;
	_ =	sdelay $0x1  }
0x126: {  	v31 =	vmul.f32 v31, v32;
	_ =	sdelay $0x1  }
0x127: {  	v32 =	vmul.f32 v31, v29;
	_ =	sdelay $0x1  }
0x128: {  	v32 =	vmul.f32 v32, v31;
	_ =	sdelay $0x1  }
0x129: {  	v32 =	vsub.f32 $1.500000000e+00, v32;
	_ =	sdelay $0x1  }
0x12a: {  	v31 =	vmul.f32 v32, v31;
	_ =	sdelay $0x1  }
0x12b: {  	v29 =	vmul.f32 v31, v29;
	_ =	sdelay $0x1  }
0x12c: {  	v29 =	vmul.f32 v29, v31;
	_ =	sdelay $0x1  }
0x12d: {  	v29 =	vsub.f32 $1.500000000e+00, v29;
	_ =	sdelay $0x1  }
0x12e: {  	v29 =	vmul.f32 v29, v31;
	_ =	sdelay $0x1  }
0x12f: {  	v28 =	vmul.f32 v29, v28;
	_ =	sdelay $0x1  }
0x130: {  	v28 =	vmul.f32 $-1.000000000e+01, v28;
	_ =	sdelay $0x1  }
0x131: {  	v28 =	vmul.f32 $1.442695020e+00, v28;
	_ =	sdelay $0x1  }
0x132: {  	(erf) = vpow2.f32 v28;
	_ =	sdelay $0x4  }
0x133: {  	v28 =	vor.u32 s28, v57;
	_ =	sdelay $0x3  }
0x134: {  	v29 =	vpop (erf)  }
0x135: {  	[tilespmem:v28+s20+$0x0] =	vst.idx.msk $0xffff, v29  }
0x136: {  	v28 =	vld.idx.msk [tilespmem:v51+s19+$0x0], $0xffff  }
0x137: {  	v29 =	vld.idx.msk [tilespmem:v52+s19+$0x0], $0xffff  }
0x138: {  	v31 =	vld.idx.msk [tilespmem:v55+s19+$0x0], $0xffff  }
0x139: {  	v32 =	vld.idx.msk [tilespmem:v56+s19+$0x0], $0xffff  }
0x13a: {  	v33 =	vld.idx.msk [tilespmem:v53+s19+$0x0], $0xffff  }
0x13b: {  	v34 =	vld.idx.msk [tilespmem:v58+s19+$0x0], $0xffff  }
0x13c: {  	v35 =	vld.idx.msk [tilespmem:v54+s19+$0x0], $0xffff  }
0x13d: {  	v36 =	vld.idx.msk [tilespmem:v59+s19+$0x0], $0xffff;
	v28 =	vmul.f32 v28, v25;
	v29 =	vmul.f32 v29, v26  }
0x13e: {  	v31 =	vmul.f32 v31, v25;
	v32 =	vmul.f32 v32, v26  }
0x13f: {  	v28 =	vadd.f32 v29, v28;
	v29 =	vmul.f32 v33, v24  }
0x140: {  	v37 =	vmul.f32 v34, v24;
	v31 =	vadd.f32 v32, v31  }
0x141: {  	v28 =	vadd.f32 v29, v28  }
0x142: {  	v29 =	vmul.f32 v35, v27;
	v31 =	vadd.f32 v37, v31;
	v37 =	vmul.f32 v36, v27;
	_ =	sdelay $0x1  }
0x143: {  	v28 =	vadd.f32 v29, v28;
	v29 =	vadd.f32 v37, v31;
	_ =	sdelay $0x1  }
0x144: {  	v28 =	vmul.f32 v28, v28;
	v29 =	vmul.f32 v29, v29;
	_ =	sdelay $0x1  }
0x145: {  	v28 =	vadd.f32 v29, v28;
	_ =	sdelay $0x1  }
0x146: {  	v29 =	vmax.f32 v28, $1.000000000e-30  }
0x147: {  	v31 =	vshrl.u32 v29, $0x1;
	v29 =	vmul.f32 $5.000000000e-01, v29  }
0x148: {  	v31 =	vsub.s32 $0x5F3759DF, v31  }
0x149: {  	v36 =	vmul.f32 v31, v29;
	_ =	sdelay $0x1  }
0x14a: {  	v32 =	vmul.f32 v31, v36;
	_ =	sdelay $0x1  }
0x14b: {  	v32 =	vsub.f32 $1.500000000e+00, v32;
	_ =	sdelay $0x1  }
0x14c: {  	v31 =	vmul.f32 v31, v32;
	_ =	sdelay $0x1  }
0x14d: {  	v32 =	vmul.f32 v31, v29;
	_ =	sdelay $0x1  }
0x14e: {  	v32 =	vmul.f32 v32, v31;
	_ =	sdelay $0x1  }
0x14f: {  	v32 =	vsub.f32 $1.500000000e+00, v32;
	_ =	sdelay $0x1  }
0x150: {  	v31 =	vmul.f32 v32, v31;
	_ =	sdelay $0x1  }
0x151: {  	v29 =	vmul.f32 v31, v29;
	_ =	sdelay $0x1  }
0x152: {  	v29 =	vmul.f32 v29, v31;
	_ =	sdelay $0x1  }
0x153: {  	v29 =	vsub.f32 $1.500000000e+00, v29;
	_ =	sdelay $0x1  }
0x154: {  	v29 =	vmul.f32 v29, v31;
	_ =	sdelay $0x1  }
0x155: {  	v28 =	vmul.f32 v29, v28;
	_ =	sdelay $0x1  }
0x156: {  	v28 =	vmul.f32 $-1.000000000e+01, v28;
	_ =	sdelay $0x1  }
0x157: {  	v28 =	vmul.f32 $1.442695020e+00, v28;
	_ =	sdelay $0x1  }
0x158: {  	(erf) = vpow2.f32 v28;
	_ =	sdelay $0x3  }
0x159: {  	v28 =	vor.u32 $0xB, v6  }
0x15a: {  	v28 =	vor.u32 s28, v28;
	_ =	sdelay $0x3  }
0x15b: {  	v29 =	vpop (erf)  }
0x15c: {  	[tilespmem:v28+s20+$0x0] =	vst.idx.msk $0xffff, v29  }
0x15d: {  	v28 =	vld.idx.msk [tilespmem:v60+s19+$0x0], $0xffff  }
0x15e: {  	v29 =	vld.idx.msk [tilespmem:v61+s19+$0x0], $0xffff  }
0x15f: {  	v31 =	vld.idx.msk [tilespmem:v3+s19+$0x0], $0xffff  }
0x160: {  	v32 =	vld.idx.msk [tilespmem:v4+s19+$0x0], $0xffff  }
0x161: {  	v34 =	vld.idx.msk [tilespmem:v5+s19+$0x0], $0xffff  }
0x162: {  	v33 =	vld.idx.msk [tilespmem:v62+s19+$0x0], $0xffff  }
0x163: {  	v36 =	vld.idx.msk [tilespmem:v7+s19+$0x0], $0xffff  }
0x164: {  	v35 =	vld.idx.msk [tilespmem:v63+s19+$0x0], $0xffff;
	v28 =	vmul.f32 v28, v25;
	v29 =	vmul.f32 v29, v26  }
0x165: {  	v31 =	vmul.f32 v31, v25;
	v32 =	vmul.f32 v32, v26  }
0x166: {  	v37 =	vmul.f32 v34, v24  }
0x167: {  	v28 =	vadd.f32 v29, v28;
	v29 =	vmul.f32 v33, v24;
	v31 =	vadd.f32 v32, v31  }
0x168: {  	v36 =	vmul.f32 v36, v27  }
0x169: {  	v28 =	vadd.f32 v29, v28;
	v29 =	vmul.f32 v35, v27;
	v31 =	vadd.f32 v37, v31;
	_ =	sdelay $0x1  }
0x16a: {  	v28 =	vadd.f32 v29, v28;
	v29 =	vadd.f32 v36, v31;
	_ =	sdelay $0x1  }
0x16b: {  	v28 =	vmul.f32 v28, v28;
	v29 =	vmul.f32 v29, v29;
	_ =	sdelay $0x1  }
0x16c: {  	v28 =	vadd.f32 v29, v28;
	_ =	sdelay $0x1  }
0x16d: {  	v29 =	vmax.f32 v28, $1.000000000e-30  }
0x16e: {  	v31 =	vshrl.u32 v29, $0x1;
	v29 =	vmul.f32 $5.000000000e-01, v29  }
0x16f: {  	v31 =	vsub.s32 $0x5F3759DF, v31  }
0x170: {  	v37 =	vmul.f32 v31, v29;
	_ =	sdelay $0x1  }
0x171: {  	v32 =	vmul.f32 v31, v37;
	_ =	sdelay $0x1  }
0x172: {  	v32 =	vsub.f32 $1.500000000e+00, v32;
	_ =	sdelay $0x1  }
0x173: {  	v31 =	vmul.f32 v31, v32;
	_ =	sdelay $0x1  }
0x174: {  	v32 =	vmul.f32 v31, v29;
	_ =	sdelay $0x1  }
0x175: {  	v32 =	vmul.f32 v32, v31;
	_ =	sdelay $0x1  }
0x176: {  	v32 =	vsub.f32 $1.500000000e+00, v32;
	_ =	sdelay $0x1  }
0x177: {  	v31 =	vmul.f32 v32, v31;
	_ =	sdelay $0x1  }
0x178: {  	v29 =	vmul.f32 v31, v29;
	_ =	sdelay $0x1  }
0x179: {  	v29 =	vmul.f32 v29, v31;
	_ =	sdelay $0x1  }
0x17a: {  	v29 =	vsub.f32 $1.500000000e+00, v29;
	_ =	sdelay $0x1  }
0x17b: {  	v29 =	vmul.f32 v29, v31;
	_ =	sdelay $0x1  }
0x17c: {  	v28 =	vmul.f32 v29, v28;
	_ =	sdelay $0x1  }
0x17d: {  	v28 =	vmul.f32 $-1.000000000e+01, v28;
	_ =	sdelay $0x1  }
0x17e: {  	v28 =	vmul.f32 $1.442695020e+00, v28;
	_ =	sdelay $0x1  }
0x17f: {  	(erf) = vpow2.f32 v28;
	_ =	sdelay $0x3  }
0x180: {  	v28 =	vor.u32 $0xD, v6  }
0x181: {  	v28 =	vor.u32 s28, v28;
	_ =	sdelay $0x3  }
0x182: {  	v29 =	vpop (erf)  }
0x183: {  	[tilespmem:v28+s20+$0x0] =	vst.idx.msk $0xffff, v29  }
0x184: {  	v28 =	vld.idx.msk [tilespmem:v8+s19+$0x0], $0xffff  }
0x185: {  	v29 =	vld.idx.msk [tilespmem:v9+s19+$0x0], $0xffff  }
0x186: {  	v31 =	vld.idx.msk [tilespmem:v13+s19+$0x0], $0xffff  }
0x187: {  	v32 =	vld.idx.msk [tilespmem:v14+s19+$0x0], $0xffff  }
0x188: {  	v33 =	vld.idx.msk [tilespmem:v10+s19+$0x0], $0xffff  }
0x189: {  	v34 =	vld.idx.msk [tilespmem:v15+s19+$0x0], $0xffff  }
0x18a: {  	v35 =	vld.idx.msk [tilespmem:v11+s19+$0x0], $0xffff  }
0x18b: {  	v36 =	vld.idx.msk [tilespmem:v16+s19+$0x0], $0xffff;
	v28 =	vmul.f32 v28, v25;
	v29 =	vmul.f32 v29, v26  }
0x18c: {  	v25 =	vmul.f32 v31, v25;
	v26 =	vmul.f32 v32, v26  }
0x18d: {  	v28 =	vadd.f32 v29, v28  }
0x18e: {  	v29 =	vmul.f32 v33, v24;
	v25 =	vadd.f32 v26, v25;
	v24 =	vmul.f32 v34, v24  }
0x18f: {  	v33 =	vmul.f32 v35, v27  }
0x190: {  	v27 =	vmul.f32 v36, v27;
	v32 =	vadd.f32 v29, v28;
	v24 =	vadd.f32 v24, v25;
	_ =	sdelay $0x1  }
0x191: {  	v25 =	vadd.f32 v33, v32;
	v24 =	vadd.f32 v27, v24;
	_ =	sdelay $0x1  }
0x192: {  	v25 =	vmul.f32 v25, v25;
	v24 =	vmul.f32 v24, v24;
	_ =	sdelay $0x1  }
0x193: {  	v24 =	vadd.f32 v24, v25;
	_ =	sdelay $0x1  }
0x194: {  	v25 =	vmax.f32 v24, $1.000000000e-30  }
0x195: {  	v34 =	vshrl.u32 v25, $0x1;
	v25 =	vmul.f32 $5.000000000e-01, v25  }
0x196: {  	v26 =	vsub.s32 $0x5F3759DF, v34  }
0x197: {  	v35 =	vmul.f32 v26, v25;
	_ =	sdelay $0x1  }
0x198: {  	v27 =	vmul.f32 v26, v35;
	_ =	sdelay $0x1  }
0x199: {  	v27 =	vsub.f32 $1.500000000e+00, v27;
	_ =	sdelay $0x1  }
0x19a: {  	v26 =	vmul.f32 v26, v27;
	_ =	sdelay $0x1  }
0x19b: {  	v27 =	vmul.f32 v26, v25;
	_ =	sdelay $0x1  }
0x19c: {  	v27 =	vmul.f32 v27, v26;
	_ =	sdelay $0x1  }
0x19d: {  	v27 =	vsub.f32 $1.500000000e+00, v27;
	_ =	sdelay $0x1  }
0x19e: {  	v26 =	vmul.f32 v27, v26;
	_ =	sdelay $0x1  }
0x19f: {  	v25 =	vmul.f32 v26, v25;
	_ =	sdelay $0x1  }
0x1a0: {  	v25 =	vmul.f32 v25, v26;
	_ =	sdelay $0x1  }
0x1a1: {  	v25 =	vsub.f32 $1.500000000e+00, v25;
	_ =	sdelay $0x1  }
0x1a2: {  	v25 =	vmul.f32 v25, v26;
	_ =	sdelay $0x1  }
0x1a3: {  	v24 =	vmul.f32 v25, v24;
	_ =	sdelay $0x1  }
0x1a4: {  	v24 =	vmul.f32 $-1.000000000e+01, v24;
	_ =	sdelay $0x1  }
0x1a5: {  	v24 =	vmul.f32 $1.442695020e+00, v24;
	_ =	sdelay $0x1  }
0x1a6: {  	(erf) = vpow2.f32 v24;
	_ =	sdelay $0x3  }
0x1a7: {  	v36 =	vor.u32 $0xE, v6  }
0x1a8: {  	p0 =	sne.s32 s28, $0x700;
	v24 =	vor.u32 s28, v36  }
.Ltmp1:
0x1a9: {  	_ = 	snop;
	(pc) =	sbr.rel @p0 .LBB2_4-.Ltmp1, $3  }
0x1aa: {  	_ =	sdelay $0x1  }
0x1ab: {  	s24 =	sadd.s32 $0x10, s24;
	v37 =	vpop (erf)  }
0x1ac: {  	s25 =	sadd.s32 $0x10, s25;
	s26 =	sadd.s32 $0x100, s26;
	s28 =	sadd.s32 $0x100, s28;
	[tilespmem:v24+s20+$0x0] =	vst.idx.msk $0xffff, v37  }
0x1ad: {  	s24 =	simm.s32 $0x10EE0;
	s25 =	simm.s32 $0x0  }
.LBB2_6:
0x1ae: {  	s26 =	sshll.u32 s25, $0x4  }
0x1af: {  	v25 =	vld [tilespmem:s26+$0x10300]  }
0x1b0: {  	v26 =	vld [tilespmem:s26+$0x10380]  }
0x1b1: {  	v27 =	vld [tilespmem:s26+$0x10480]  }
0x1b2: {  	v28 =	vld [tilespmem:s26+$0x10500]  }
0x1b3: {  	v29 =	vld [tilespmem:s26+$0x10600]  }
0x1b4: {  	v31 =	vld [tilespmem:s26+$0x10580]  }
0x1b5: {  	v32 =	vld [tilespmem:s26+$0x10400]  }
0x1b6: {  	v33 =	vld [tilespmem:s26+$0x10280];
	_ =	sdelay $0x1  }
0x1b7: {  	s31 =	sshll.u32 s25, $0x8;
	vm6 =	vgt.f32 v25, $5.000000000e-01;
	v25 =	vmov s23  }
0x1b8: {  	v24 =	vor.u32 s31, v6;
	vm0 =	vgt.f32 v29, $5.000000000e-01;
	vm1 =	vgt.f32 v31, $5.000000000e-01  }
0x1b9: {  	vm2 =	vgt.f32 v28, $5.000000000e-01;
	vm3 =	vgt.f32 v27, $5.000000000e-01;
	vm4 =	vgt.f32 v32, $5.000000000e-01  }
0x1ba: {  	s26 =	simm.s32 $0x0;
	vm5 =	vgt.f32 v26, $5.000000000e-01;
	vm7 =	vgt.f32 v33, $5.000000000e-01;
	v26 =	vmov s24  }
.LBB2_7:
0x1bb: {  	s28 =	sshra.s32 s26, $0x2  }
0x1bc: {  	v27 =	vld.idx.msk [tilespmem:v25+s28+$0x0 ss:$0x1], $0xffff;
	_ =	sdelay $0x1  }
0x1bd: {  	v28 =	vld.idx.msk [tilespmem:v25+s28+$0xE000 ss:$0x1], $0xffff;
	_ =	sdelay $0x1  }
0x1be: {  	v29 =	vld.idx.msk [tilespmem:v25+s28+$0xC400 ss:$0x1], $0xffff  }
0x1bf: {  	v27 =	vshll.u32 v27, $0x2  }
0x1c0: {  	v31 =	vld.idx.msk [tilespmem:v25+s28+$0xA800 ss:$0x1], $0xffff;
	v27 =	vadd.s32 v24, v27  }
0x1c1: {  	v28 =	vor.u32 v28, v27  }
0x1c2: {  	v32 =	vld.idx.msk [tilespmem:v25+s28+$0x8C00 ss:$0x1], $0xffff  }
0x1c3: {  	v29 =	vor.u32 v27, v29  }
0x1c4: {  	v33 =	vld.idx.msk [tilespmem:v25+s28+$0x7000 ss:$0x1], $0xffff  }
0x1c5: {  	v34 =	vld.idx.msk [tilespmem:v25+s28+$0x5400 ss:$0x1], $0xffff;
	v31 =	vor.u32 v27, v31  }
0x1c6: {  	v28 =	vld.idx.msk [tilespmem:v28+s20+$0x0], $0xffff  }
0x1c7: {  	v35 =	vld.idx.msk [tilespmem:v25+s28+$0x3800 ss:$0x1], $0xffff;
	v32 =	vor.u32 v27, v32  }
0x1c8: {  	v29 =	vld.idx.msk [tilespmem:v29+s20+$0x0], $0xffff  }
0x1c9: {  	v36 =	vld.idx.msk [tilespmem:v25+s28+$0x1C00 ss:$0x1], $0xffff;
	v33 =	vor.u32 v27, v33  }
0x1ca: {  	v31 =	vld.idx.msk [tilespmem:v31+s20+$0x0], $0xffff  }
0x1cb: {  	v34 =	vor.u32 v27, v34;
	v37 =	vadd.f32 $0.0e+00, v28  }
0x1cc: {  	v32 =	vld.idx.msk [tilespmem:v32+s20+$0x0], $0xffff  }
0x1cd: {  	v35 =	vor.u32 v27, v35;
	v38 =	vadd.f32 v29, v37  }
0x1ce: {  	v33 =	vld.idx.msk [tilespmem:v33+s20+$0x0], $0xffff  }
0x1cf: {  	v27 =	vor.u32 v27, v36;
	v40 =	vadd.f32 v31, v38  }
0x1d0: {  	v34 =	vld.idx.msk [tilespmem:v34+s20+$0x0], $0xffff  }
0x1d1: {  	v36 =	vadd.f32 v32, v40  }
0x1d2: {  	v35 =	vld.idx.msk [tilespmem:v35+s20+$0x0], $0xffff  }
0x1d3: {  	v41 =	vadd.f32 v33, v36  }
0x1d4: {  	v27 =	vld.idx.msk [tilespmem:v27+s20+$0x0], $0xffff  }
0x1d5: {  	v37 =	vnsel vm0, $0x3F800000, v37;
	v38 =	vnsel vm1, $0x3F800000, v38;
	v42 =	vadd.f32 v34, v41  }
0x1d6: {  	v37 =	vmul.f32 v38, v37  }
0x1d7: {  	v38 =	vnsel vm4, $0x3F800000, v41;
	v41 =	vnsel vm5, $0x3F800000, v42;
	v42 =	vadd.f32 v35, v42  }
0x1d8: {  	v40 =	vnsel vm2, $0x3F800000, v40;
	v38 =	vmul.f32 v41, v38  }
0x1d9: {  	v37 =	vmul.f32 v40, v37;
	v40 =	vnsel vm6, $0x3F800000, v42;
	v41 =	vadd.f32 v27, v42  }
0x1da: {  	v36 =	vnsel vm3, $0x3F800000, v36;
	v38 =	vmul.f32 v40, v38  }
0x1db: {  	v36 =	vmul.f32 v36, v37;
	v42 =	vnsel vm7, $0x3F800000, v41  }
0x1dc: {  	v37 =	vmul.f32 v42, v38  }
0x1dd: {  	(erf) = vrcp.f32 v36  }
0x1de: {  	(erf) = vrcp.f32 v37  }
0x1df: {  	v28 =	vnsel vm0, $0x3F800000, v28  }
0x1e0: {  	v29 =	vnsel vm1, $0x3F800000, v29;
	v33 =	vnsel vm4, $0x3F800000, v33;
	v34 =	vnsel vm5, $0x3F800000, v34  }
0x1e1: {  	v28 =	vmul.f32 v29, v28;
	v29 =	vmul.f32 v34, v33  }
0x1e2: {  	v31 =	vnsel vm2, $0x3F800000, v31;
	v37 =	vnsel vm6, $0x3F800000, v35  }
0x1e3: {  	v28 =	vmul.f32 v31, v28;
	v31 =	vnsel vm3, $0x3F800000, v32;
	v29 =	vmul.f32 v37, v29;
	_ =	sdelay $0x1  }
0x1e4: {  	v27 =	vnsel vm7, $0x3F800000, v27  }
0x1e5: {  	v28 =	vmul.f32 v31, v28;
	v31 =	vpop (erf);
	v27 =	vmul.f32 v27, v29  }
0x1e6: {  	v29 =	vpop (erf)  }
0x1e7: {  	v28 =	vmul.f32 v31, v28;
	v27 =	vmul.f32 v29, v27;
	_ =	sdelay $0x1  }
0x1e8: {  	v27 =	vmul.f32 v27, v28;
	_ =	sdelay $0x1  }
0x1e9: {  	vm8 =	vgt.f32 v27, $0.0e+00  }
0x1ea: {  	v27 =	vnsel vm8, $0x0, v27  }
0x1eb: {  	[tilespmem:v26+s28+$0x0 ss:$0x1] =	vst.idx.msk $0xffff, v27  }
0x1ec: {  	v27 =	vld.idx.msk [tilespmem:v25+s28+$0x80 ss:$0x1], $0xffff;
	_ =	sdelay $0x1  }
0x1ed: {  	v28 =	vld.idx.msk [tilespmem:v25+s28+$0xE080 ss:$0x1], $0xffff;
	_ =	sdelay $0x1  }
0x1ee: {  	v29 =	vld.idx.msk [tilespmem:v25+s28+$0xC480 ss:$0x1], $0xffff  }
0x1ef: {  	v27 =	vshll.u32 v27, $0x2  }
0x1f0: {  	v31 =	vld.idx.msk [tilespmem:v25+s28+$0xA880 ss:$0x1], $0xffff;
	v27 =	vadd.s32 v24, v27  }
0x1f1: {  	v28 =	vor.u32 v28, v27  }
0x1f2: {  	v38 =	vld.idx.msk [tilespmem:v25+s28+$0x8C80 ss:$0x1], $0xffff  }
0x1f3: {  	v29 =	vor.u32 v27, v29  }
0x1f4: {  	v40 =	vld.idx.msk [tilespmem:v25+s28+$0x7080 ss:$0x1], $0xffff  }
0x1f5: {  	v41 =	vld.idx.msk [tilespmem:v25+s28+$0x5480 ss:$0x1], $0xffff;
	v31 =	vor.u32 v27, v31  }
0x1f6: {  	v28 =	vld.idx.msk [tilespmem:v28+s20+$0x0], $0xffff  }
0x1f7: {  	v42 =	vld.idx.msk [tilespmem:v25+s28+$0x3880 ss:$0x1], $0xffff;
	v32 =	vor.u32 v27, v38  }
0x1f8: {  	v29 =	vld.idx.msk [tilespmem:v29+s20+$0x0], $0xffff  }
0x1f9: {  	v36 =	vld.idx.msk [tilespmem:v25+s28+$0x1C80 ss:$0x1], $0xffff;
	v33 =	vor.u32 v27, v40  }
0x1fa: {  	v31 =	vld.idx.msk [tilespmem:v31+s20+$0x0], $0xffff  }
0x1fb: {  	v34 =	vor.u32 v27, v41;
	v37 =	vadd.f32 $0.0e+00, v28  }
0x1fc: {  	v32 =	vld.idx.msk [tilespmem:v32+s20+$0x0], $0xffff  }
0x1fd: {  	v35 =	vor.u32 v27, v42;
	v38 =	vadd.f32 v29, v37  }
0x1fe: {  	v33 =	vld.idx.msk [tilespmem:v33+s20+$0x0], $0xffff  }
0x1ff: {  	v27 =	vor.u32 v27, v36;
	v40 =	vadd.f32 v31, v38  }
0x200: {  	v34 =	vld.idx.msk [tilespmem:v34+s20+$0x0], $0xffff  }
0x201: {  	v36 =	vadd.f32 v32, v40  }
0x202: {  	v35 =	vld.idx.msk [tilespmem:v35+s20+$0x0], $0xffff  }
0x203: {  	v41 =	vadd.f32 v33, v36  }
0x204: {  	v27 =	vld.idx.msk [tilespmem:v27+s20+$0x0], $0xffff  }
0x205: {  	v37 =	vnsel vm0, $0x3F800000, v37;
	v38 =	vnsel vm1, $0x3F800000, v38;
	v42 =	vadd.f32 v34, v41  }
0x206: {  	v37 =	vmul.f32 v38, v37  }
0x207: {  	v38 =	vnsel vm4, $0x3F800000, v41;
	v41 =	vnsel vm5, $0x3F800000, v42;
	v42 =	vadd.f32 v35, v42  }
0x208: {  	v40 =	vnsel vm2, $0x3F800000, v40;
	v38 =	vmul.f32 v41, v38  }
0x209: {  	v37 =	vmul.f32 v40, v37;
	v40 =	vnsel vm6, $0x3F800000, v42;
	v41 =	vadd.f32 v27, v42  }
0x20a: {  	v36 =	vnsel vm3, $0x3F800000, v36;
	v38 =	vmul.f32 v40, v38  }
0x20b: {  	v36 =	vmul.f32 v36, v37;
	v40 =	vnsel vm7, $0x3F800000, v41  }
0x20c: {  	v37 =	vmul.f32 v40, v38  }
0x20d: {  	(erf) = vrcp.f32 v36  }
0x20e: {  	(erf) = vrcp.f32 v37  }
0x20f: {  	v28 =	vnsel vm0, $0x3F800000, v28  }
0x210: {  	v29 =	vnsel vm1, $0x3F800000, v29;
	v33 =	vnsel vm4, $0x3F800000, v33;
	v34 =	vnsel vm5, $0x3F800000, v34  }
0x211: {  	v28 =	vmul.f32 v29, v28;
	v29 =	vmul.f32 v34, v33  }
0x212: {  	v41 =	vnsel vm6, $0x3F800000, v35  }
0x213: {  	v31 =	vnsel vm2, $0x3F800000, v31;
	v29 =	vmul.f32 v41, v29  }
0x214: {  	v28 =	vmul.f32 v31, v28  }
0x215: {  	v31 =	vnsel vm3, $0x3F800000, v32;
	v27 =	vnsel vm7, $0x3F800000, v27  }
0x216: {  	v28 =	vmul.f32 v31, v28;
	v27 =	vmul.f32 v27, v29;
	v42 =	vpop (erf)  }
0x217: {  	v29 =	vpop (erf)  }
0x218: {  	v28 =	vmul.f32 v42, v28;
	v27 =	vmul.f32 v29, v27  }
0x219: {  	p0 =	sne.s32 s26, $0x6C00  }
.Ltmp2:
0x21a: {  	v27 =	vmul.f32 v27, v28;
	(pc) =	sbr.rel @p0 .LBB2_7-.Ltmp2, $4  }
0x21b: {  	_ = 	snop  }
0x21c: {  	vm8 =	vgt.f32 v27, $0.0e+00  }
0x21d: {  	v27 =	vnsel vm8, $0x0, v27  }
0x21e: {  	s26 =	sadd.s32 $0x400, s26;
	[tilespmem:v26+s28+$0x80 ss:$0x1] =	vst.idx.msk $0xffff, v27  }
0x21f: {  	s25 =	sadd.s32 $0x1, s25  }
0x220: {  	p0 =	sne.s32 s25, $0x8  }
.Ltmp3:
0x221: {  	_ = 	snop;
	(pc) =	sbr.rel @p0 .LBB2_6-.Ltmp3, $2  }
0x222: {  	_ =	sdelay $0x2  }
0x223: {  	s24 =	sadd.s32 $0x10, s24;
	s23 =	sadd.s32 $0x10, s23  }
0x224: {  	s22 =	sadd.s32 $0x1, s22  }
0x225: {  	p0 =	sne.s32 s22, s9  }
.Ltmp4:
0x226: {  	_ = 	snop;
	(pc) =	sbr.rel @p0 .LBB2_1-.Ltmp4, $4  }
0x227: {  	[hbm4b:s8+s13] =	stream.strided.scatter [tilespmem:s21], [sflag:$0x2], $0x1C00, s14, s13, $0x38;
	[tilespmem:$0x12CE0] =	vst v63  }
0x228: {  	_ =	swait.ge [sflag:s16], $0x1C00  }
0x229: {  	v38 =	vimm.s32 $0x8;
	[sflag:s16] =	ssyncset.done $0x0  }
0x22a: {  	v40 =	vimm.s32 $0x9;
	v41 =	vimm.s32 $0xA;
	v42 =	vimm.s32 $0xB;
	[sflag:s16] =	ssyncadd.s32 $0xFFFFE400  }
0x22b: {  	_ =	sfence.sel $0x180000  }
0x22c: {  	[bflag:$0x0] =	sbarrier.arrive $0xFFFF  }
0x22d: {  	p0 =	sne.s32 s0, $0x0;
	_ =	strace $0x90000047  }
0x22e: {  	s0 =	sadd.s32 @!p0 $0x100000, s1;
	[bflag:$0x2] =	sbarrier.arrive $0xFFFF  }
0x22f: {  	[sflag:s0] =	ssyncadd.tile.s32 @!p0 $0x1;
	_ =	shalt  }
.Lfunc_end2:
_tile_overlayer_lowered:
.L_overlay_start_2:
0x230: {  	(tag) =	ssettag $0x2  }
0x231: {  	s0 =	rddreg [dreg:$0x0];
	s2 =	stileid.u32  }
0x232: {  	s1 =	rddreg [dreg:$0x1];
	p0 =	sne.s32 s2, $0x0  }
0x233: {  	s3 =	rddreg [dreg:$0x2];
	[bflag:$0x3] =	sbarrier.arrive $0xFFFF;
	s2 =	simm.s32 @!p0 $0x1C02  }
0x234: {  	[timem:s3], [sflag:s2] =	dma.local @!p0 [hbm:s0], s1  }
0x235: {  	s0 =	simm.s32 @!p0 $0x2  }
0x236: {  	_ =	swait.ge @!p0 [sflag:s0], s1  }
0x237: {  	s1 =	ssub.s32 @!p0 $0x0, s1;
	[sflag:s0] =	ssyncset.done @!p0 $0x0  }
0x238: {  	[sflag:s0] =	ssyncadd.s32 @!p0 s1  }
0x239: {  	[bflag:$0x3] =	sbarrier.arrive $0xFFFF  }
0x23a: {  	_ =	shalt  }

</sc_bundles>
